<compile_context>
chip_gen: v7x
topology: tpu7x:2x2x1
jax: 0.10.2.dev20260603
libtpu: 0.0.44.dev20260713+nightly
codegen_flags: <defaults>
</compile_context>

<pallas_src>
import functools

import jax
import jax.numpy as jnp
from jax import lax
from jax.experimental import pallas as pl
from jax.experimental.pallas import tpu as pltpu
from jax.experimental.pallas import tpu_sc as plsc

TOTAL = 1024
D = 512
H = 4
DH = D // H
LMAX = 512
S2 = 2 * LMAX
B = 4
NC = 16
NQ = B * NC
AV = 128

_SC_CORES = 2
_SC_SUBCORES = 16
_NW = _SC_CORES * _SC_SUBCORES


def _sc_gather(table, idx, num_cores=1):
    n = idx.shape[0]
    n_per_w = n // (num_cores * _SC_SUBCORES)
    d = table.shape[1]
    mesh = plsc.VectorSubcoreMesh(core_axis_name="c", subcore_axis_name="s",
                                  num_cores=num_cores)

    @functools.partial(
        pl.kernel,
        out_type=jax.ShapeDtypeStruct((n, d), jnp.float32),
        mesh=mesh,
        scratch_types=[
            pltpu.VMEM((n_per_w,), jnp.int32),
            pltpu.VMEM((n_per_w, d), jnp.float32),
            pltpu.SemaphoreType.DMA,
        ],
    )
    def gather_kernel(table_hbm, idx_hbm, out_hbm, idx_v, rows_v, sem):
        wid = lax.axis_index("s") * num_cores + lax.axis_index("c")
        base = wid * n_per_w
        pltpu.sync_copy(idx_hbm.at[pl.ds(base, n_per_w)], idx_v)
        pltpu.async_copy(table_hbm.at[idx_v], rows_v, sem).wait()
        pltpu.sync_copy(rows_v, out_hbm.at[pl.ds(base, n_per_w)])

    return gather_kernel(table, idx)


def _ln(x):
    mu = jnp.mean(x, axis=-1, keepdims=True)
    xc = x - mu
    var = jnp.mean(xc * xc, axis=-1, keepdims=True)
    return xc / jnp.sqrt(var + 1e-6)


def _silu(x):
    return x * jax.nn.sigmoid(x)


def _dense_body(e_it_hbm, aid_ref, cu_ref, nc_ref, at_ref, wuvqk_hbm,
                wo_hbm, w1_hbm, w2_ref, out_ref,
                e_it_v, wu_v, wv_v, wq_v, wk_v, wo_v, w1_v, sems):
    f32 = jnp.float32

    cp_eit = pltpu.make_async_copy(e_it_hbm, e_it_v, sems.at[0])
    cp_wu = pltpu.make_async_copy(wuvqk_hbm.at[:, 0 * D:1 * D], wu_v, sems.at[1])
    cp_wv = pltpu.make_async_copy(wuvqk_hbm.at[:, 1 * D:2 * D], wv_v, sems.at[2])
    cp_wq = pltpu.make_async_copy(wuvqk_hbm.at[:, 2 * D:3 * D], wq_v, sems.at[3])
    cp_wk = pltpu.make_async_copy(wuvqk_hbm.at[:, 3 * D:4 * D], wk_v, sems.at[4])
    cp_wo = pltpu.make_async_copy(wo_hbm, wo_v, sems.at[5])
    cp_w1 = pltpu.make_async_copy(w1_hbm, w1_v, sems.at[6])
    for c in (cp_wk, cp_wv, cp_eit, cp_wq, cp_wu, cp_wo, cp_w1):
        c.start()

    aid = aid_ref[...]
    oh = (aid == lax.broadcasted_iota(jnp.int32, (TOTAL, AV), 1)).astype(f32)
    e_ac = jnp.dot(oh, at_ref[...], preferred_element_type=f32,
                   precision=lax.Precision.HIGHEST)
    ln_ac = _ln(e_ac)

    cu = [cu_ref[i] for i in range(B + 1)]
    hl, kb, inv_cnt = [], [], []
    for b in range(B):
        lb = cu[b + 1] - cu[b]
        cb = jnp.minimum(nc_ref[b], lb)
        hb = lb - cb
        kv = jnp.maximum(jnp.minimum(lb, LMAX) - hb, 0)
        hl.append(hb); kb.append(kv)
        inv_cnt.append(1.0 / jnp.maximum(kv, 1).astype(f32))

    def sel_by(tag, vals):
        r = vals[B - 1]
        for i in range(B - 2, -1, -1):
            r = jnp.where(tag == i, vals[i], r)
        return r

    rows = lax.broadcasted_iota(jnp.int32, (NQ, TOTAL), 0)
    cols = lax.broadcasted_iota(jnp.int32, (NQ, TOTAL), 1)
    b_of_p = rows // NC
    c_of_p = rows % NC
    cu_of_p = sel_by(b_of_p, cu[:B])
    hl_of_p = sel_by(b_of_p, hl)
    kb_of_p = sel_by(b_of_p, kb)

    seg = ((cols >= cu[1]).astype(jnp.int32)
           + (cols >= cu[2]).astype(jnp.int32)
           + (cols >= cu[3]).astype(jnp.int32))
    j_loc = cols - sel_by(seg, cu[:B])

    jc = hl_of_p + c_of_p
    valid_p = c_of_p < kb_of_p
    same = seg == b_of_p
    in_l = j_loc < LMAX
    m_it = (same & (j_loc <= jc) & in_l & valid_p).astype(f32) * (1.0 / S2)
    m_ac = (same & (j_loc < hl_of_p) & in_l & valid_p).astype(f32) * (1.0 / S2)
    sel = ((cols == cu_of_p + jc) & valid_p).astype(f32)

    prow = lax.broadcasted_iota(jnp.int32, (B, NQ), 0)
    pcol = lax.broadcasted_iota(jnp.int32, (B, NQ), 1)
    pb = pcol // NC
    pc = pcol % NC
    pool = ((pb == prow) & (pc < sel_by(pb, kb))).astype(f32) * sel_by(pb, inv_cnt)

    cp_wk.wait()
    k_ac = _silu(jnp.dot(ln_ac, wk_v[...], preferred_element_type=f32))
    cp_wv.wait()
    v_ac = _silu(jnp.dot(ln_ac, wv_v[...], preferred_element_type=f32))

    cp_eit.wait()
    e_it = e_it_v[...]
    ln_it = _ln(e_it)
    k_it = _silu(jnp.dot(ln_it, wk_v[...], preferred_element_type=f32))
    v_it = _silu(jnp.dot(ln_it, wv_v[...], preferred_element_type=f32))

    x_c = jnp.dot(sel, e_it, preferred_element_type=f32,
                  precision=lax.Precision.HIGHEST)
    ln_c = jnp.dot(sel, ln_it, preferred_element_type=f32,
                   precision=lax.Precision.HIGHEST)
    cp_wq.wait()
    q_c = _silu(jnp.dot(ln_c, wq_v[...], preferred_element_type=f32))
    cp_wu.wait()
    u_c = _silu(jnp.dot(ln_c, wu_v[...], preferred_element_type=f32))

    dn = (((1,), (1,)), ((), ()))
    heads = []
    for h in range(H):
        hs = slice(h * DH, (h + 1) * DH)
        s_it = lax.dot_general(q_c[:, hs], k_it[:, hs], dn,
                               preferred_element_type=f32)
        s_ac = lax.dot_general(q_c[:, hs], k_ac[:, hs], dn,
                               preferred_element_type=f32)
        w_it = _silu(s_it) * m_it
        w_ac = _silu(s_ac) * m_ac
        heads.append(jnp.dot(w_it, v_it[:, hs], preferred_element_type=f32)
                     + jnp.dot(w_ac, v_ac[:, hs], preferred_element_type=f32))
    attn = jnp.concatenate(heads, axis=1)

    cp_wo.wait()
    y = x_c + jnp.dot(_ln(attn) * u_c, wo_v[...], preferred_element_type=f32)

    hvec = jnp.dot(pool, y, preferred_element_type=f32,
                   precision=lax.Precision.HIGHEST)
    cp_w1.wait()
    z = jnp.maximum(jnp.dot(hvec, w1_v[...], preferred_element_type=f32), 0.0)
    out_ref[...] = jnp.dot(z, w2_ref[...], preferred_element_type=f32)


def _dense_call(interpret=False):
    return pl.pallas_call(
        _dense_body,
        out_shape=jax.ShapeDtypeStruct((B, 3), jnp.float32),
        in_specs=[
            pl.BlockSpec(memory_space=pl.ANY),
            pl.BlockSpec(memory_space=pltpu.VMEM),
            pl.BlockSpec(memory_space=pltpu.SMEM),
            pl.BlockSpec(memory_space=pltpu.SMEM),
            pl.BlockSpec(memory_space=pltpu.VMEM),
            pl.BlockSpec(memory_space=pl.ANY),
            pl.BlockSpec(memory_space=pl.ANY),
            pl.BlockSpec(memory_space=pl.ANY),
            pl.BlockSpec(memory_space=pltpu.VMEM),
        ],
        out_specs=pl.BlockSpec(memory_space=pltpu.VMEM),
        scratch_shapes=[
            pltpu.VMEM((TOTAL, D), jnp.float32),
            pltpu.VMEM((D, D), jnp.float32),
            pltpu.VMEM((D, D), jnp.float32),
            pltpu.VMEM((D, D), jnp.float32),
            pltpu.VMEM((D, D), jnp.float32),
            pltpu.VMEM((D, D), jnp.float32),
            pltpu.VMEM((D, D), jnp.float32),
            pltpu.SemaphoreType.DMA((7,)),
        ],
        interpret=interpret,
    )


def kernel(item_ids, action_ids, cu_seqlens, num_candidates, item_table,
           action_table, W_uvqk, W_o, W1, W2):
    e_it = _sc_gather(item_table, item_ids, num_cores=_SC_CORES)
    aid2d = action_ids.reshape(TOTAL, 1)
    return _dense_call()(e_it, aid2d, cu_seqlens.astype(jnp.int32),
                         num_candidates.astype(jnp.int32), action_table,
                         W_uvqk, W_o, W1, W2)

# --- scband reference (transcript-rebuilt; emitter-appended) ---
"""Pipeline reference for scband-inference-ranking-gr-88484916232780 (READ-ONLY COPY).

The authoritative reference and input builder live on the scoring server;
editing this copy changes nothing except your own understanding.
"""

import jax, jax.numpy as jnp
import numpy as np

B = 4
L = 512          # max item-history length per user
TOTAL = 1024     # total ragged item tokens = B * L / 2
D = 512          # hidden_dim
H = 4            # num_heads
NT = 3           # num_tasks
IV = 100000      # item vocab
AV = 128         # action vocab


def _layer_norm(x, eps=1e-6):
    mu = jnp.mean(x, axis=-1, keepdims=True)
    var = jnp.var(x, axis=-1, keepdims=True)
    return (x - mu) / jnp.sqrt(var + eps)


def setup_inputs(seed: int = 0) -> dict:
    key = jax.random.key(seed)
    ks = jax.random.split(key, 10)
    item_ids = jax.random.randint(ks[0], (TOTAL,), 0, IV, dtype=jnp.int32)
    action_ids = jax.random.randint(ks[1], (TOTAL,), 0, AV, dtype=jnp.int32)
    inner = jnp.sort(jax.random.randint(ks[2], (B - 1,), 0, TOTAL, dtype=jnp.int32))
    cu_seqlens = jnp.concatenate([jnp.zeros((1,), jnp.int32), inner,
                                  jnp.full((1,), TOTAL, jnp.int32)])
    num_candidates = jax.random.randint(ks[3], (B,), 0, 16, dtype=jnp.int32)
    item_table = jax.random.normal(ks[4], (IV, D), jnp.float32) * 0.02
    action_table = jax.random.normal(ks[5], (AV, D), jnp.float32) * 0.02
    W_uvqk = jax.random.normal(ks[6], (D, 4 * D), jnp.float32) * 0.02
    W_o = jax.random.normal(ks[7], (D, D), jnp.float32) * 0.02
    W1 = jax.random.normal(ks[8], (D, D), jnp.float32) * 0.02
    W2 = jax.random.normal(ks[9], (D, NT), jnp.float32) * 0.02
    return {"item_ids": item_ids, "action_ids": action_ids,
            "cu_seqlens": cu_seqlens, "num_candidates": num_candidates,
            "item_table": item_table, "action_table": action_table,
            "W_uvqk": W_uvqk, "W_o": W_o, "W1": W1, "W2": W2}


def reference(item_ids, action_ids, cu_seqlens, num_candidates,
              item_table, action_table, W_uvqk, W_o, W1, W2):
    # ---- ragged -> dense padded per-user sequences (sparse_module embedding) ----
    lengths = cu_seqlens[1:] - cu_seqlens[:-1]                       # [B]
    pos = cu_seqlens[:-1][:, None] + jnp.arange(L, dtype=jnp.int32)[None, :]
    valid = jnp.arange(L)[None, :] < lengths[:, None]                # [B, L]
    gidx = jnp.minimum(pos, TOTAL - 1)
    it = jnp.take(item_ids, gidx, axis=0)
    ac = jnp.take(action_ids, gidx, axis=0)
    cand = jnp.minimum(num_candidates.astype(jnp.int32), lengths)
    hist_len = lengths - cand                                        # history (non-candidate) items
    act_valid = jnp.arange(L)[None, :] < hist_len[:, None]           # actions only for history
    e_it = jnp.take(item_table, it, axis=0) * valid[..., None]
    e_ac = jnp.take(action_table, ac, axis=0) * act_valid[..., None]
    # interleave (item, action) as in HSTU preprocessor
    x = jnp.stack([e_it, e_ac], axis=2).reshape(B, 2 * L, D)
    vmask = jnp.stack([valid, act_valid], axis=2).reshape(B, 2 * L)
    # ---- HSTU-style layer (dense_module) ----
    n = _layer_norm(x)
    uvqk = jax.nn.silu(n @ W_uvqk)
    u, v, q, k = jnp.split(uvqk, 4, axis=-1)
    S = 2 * L
    dh = D // H
    qh = q.reshape(B, S, H, dh).transpose(0, 2, 1, 3)
    kh = k.reshape(B, S, H, dh).transpose(0, 2, 1, 3)
    vh = v.reshape(B, S, H, dh).transpose(0, 2, 1, 3)
    scores = jax.nn.silu(jnp.einsum('bhid,bhjd->bhij', qh, kh)) / S
    causal = jnp.tril(jnp.ones((S, S), dtype=bool))
    amask = causal[None, None, :, :] & vmask[:, None, None, :] & vmask[:, None, :, None]
    scores = scores * amask
    attn = jnp.einsum('bhij,bhjd->bhid', scores, vh)
    attn = attn.transpose(0, 2, 1, 3).reshape(B, S, D)
    y = x + (_layer_norm(attn) * u) @ W_o
    # ---- ranking head over candidate item positions ----
    y_item = y.reshape(B, L, 2, D)[:, :, 0, :]
    j = jnp.arange(L)[None, :]
    cmask = (j >= hist_len[:, None]) & (j < lengths[:, None])
    cnt = jnp.maximum(jnp.sum(cmask, axis=1), 1)
    h = jnp.sum(y_item * cmask[..., None], axis=1) / cnt[:, None].astype(jnp.float32)
    logits = jax.nn.relu(h @ W1) @ W2
    return logits

if __name__ == "__main__":
    import jax
    _d = setup_inputs()
    print(jax.jit(kernel)(*tuple(_d.values())))

</pallas_src>

<mosaic_0001>
#map = affine_map<(d0, d1) -> (0, 0)>
#map1 = affine_map<(d0, d1) -> (0)>
module attributes {stable_mosaic.version = 14 : i64} {
  func.func @gather_kernel(%arg0: i32, %arg1: i32, %arg2: memref<100000x512xf32, #tpu.memory_space<hbm>>, %arg3: memref<1024xi32, #tpu.memory_space<hbm>>, %arg4: memref<1024x512xf32, #tpu.memory_space<hbm>>, %arg5: memref<32xi32, #tpu.memory_space<vmem>>, %arg6: memref<32x512xf32, #tpu.memory_space<vmem>>, %arg7: memref<!tpu.dma_semaphore, #tpu.memory_space<semaphore_mem>>) attributes {dimension_semantics = [#tpu.dimension_semantics<core_parallel>, #tpu.dimension_semantics<subcore_parallel>], iteration_bounds = array<i64: 2, 16>, scalar_prefetch = 0 : i64, scratch_operands = 3 : i64, tpu.core_type = #tpu.core_type<sc_vector_subcore>, window_params = [{transform_indices = #map}, {transform_indices = #map1}, {transform_indices = #map}]} {
    %mul3A = arith.constant 2 : i32
    %mul3A_0 = arith.muli %arg1, %mul3A : i32
    %add3A = arith.addi %mul3A_0, %arg0 : i32
    %mul3A_1 = arith.constant 32 : i32
    %mul3A_2 = arith.muli %add3A, %mul3A_1 : i32
    "tpu.region"() ({
      %run_scoped3A = tpu.sem_alloc : memref<!tpu.dma_semaphore, #tpu.memory_space<semaphore_mem>>
      %dma_start3A_7 = tpu.memref_slice %arg3[%mul3A_2] : memref<1024xi32, #tpu.memory_space<hbm>> -> memref<32xi32, #tpu.memory_space<hbm>>
      %dma_start3A_8 = tpu.memref_slice %arg3[%mul3A_2] : memref<1024xi32, #tpu.memory_space<hbm>> -> memref<32xi32, #tpu.memory_space<hbm>>
      tpu.enqueue_dma source(%dma_start3A_8 : memref<32xi32, #tpu.memory_space<hbm>>) target(%arg5 : memref<32xi32, #tpu.memory_space<vmem>>) target_semaphore(%run_scoped3A : memref<!tpu.dma_semaphore, #tpu.memory_space<semaphore_mem>>)
      %dma_wait3A_9 = tpu.memref_slice %arg3[%mul3A_2] : memref<1024xi32, #tpu.memory_space<hbm>> -> memref<32xi32, #tpu.memory_space<hbm>>
      %dma_wait3A_10 = tpu.memref_slice %arg3[%mul3A_2] : memref<1024xi32, #tpu.memory_space<hbm>> -> memref<32xi32, #tpu.memory_space<hbm>>
      tpu.wait_dma2 semaphore(%run_scoped3A : memref<!tpu.dma_semaphore, #tpu.memory_space<semaphore_mem>>) src(%dma_wait3A_10 : memref<32xi32, #tpu.memory_space<hbm>>) dst(%arg5 : memref<32xi32, #tpu.memory_space<vmem>>)
      tpu.yield
    }) : () -> ()
    %dma_start3A = arith.constant 0 : i32
    %dma_start3A_3 = arith.constant 0 : i32
    %dma_start3A_4 = tpu.memref_slice %arg2[%dma_start3A, %dma_start3A_3] : memref<100000x512xf32, #tpu.memory_space<hbm>> -> memref<100000x512xf32, #tpu.memory_space<hbm>>
    tpu.enqueue_indirect_dma source(%dma_start3A_4 : memref<100000x512xf32, #tpu.memory_space<hbm>>) target(%arg6 : memref<32x512xf32, #tpu.memory_space<vmem>>) offsets(%arg5 : memref<32xi32, #tpu.memory_space<vmem>>) semaphore(%arg7 : memref<!tpu.dma_semaphore, #tpu.memory_space<semaphore_mem>>)
    %dma_wait3A = arith.constant 0 : i32
    %dma_wait3A_5 = arith.constant 0 : i32
    %dma_wait3A_6 = tpu.memref_slice %arg2[%dma_wait3A, %dma_wait3A_5] : memref<100000x512xf32, #tpu.memory_space<hbm>> -> memref<100000x512xf32, #tpu.memory_space<hbm>>
    tpu.wait_indirect_dma semaphore(%arg7 : memref<!tpu.dma_semaphore, #tpu.memory_space<semaphore_mem>>) src(%dma_wait3A_6 : memref<100000x512xf32, #tpu.memory_space<hbm>>) dst(%arg6 : memref<32x512xf32, #tpu.memory_space<vmem>>)
    "tpu.region"() ({
      %run_scoped3A = tpu.sem_alloc : memref<!tpu.dma_semaphore, #tpu.memory_space<semaphore_mem>>
      %dma_start3A_7 = arith.constant 0 : i32
      %dma_start3A_8 = tpu.memref_slice %arg4[%mul3A_2, %dma_start3A_7] : memref<1024x512xf32, #tpu.memory_space<hbm>> -> memref<32x512xf32, #tpu.memory_space<hbm>>
      %dma_start3A_9 = arith.constant 0 : i32
      %dma_start3A_10 = tpu.memref_slice %arg4[%mul3A_2, %dma_start3A_9] : memref<1024x512xf32, #tpu.memory_space<hbm>> -> memref<32x512xf32, #tpu.memory_space<hbm>>
      tpu.enqueue_dma source(%arg6 : memref<32x512xf32, #tpu.memory_space<vmem>>) target(%dma_start3A_10 : memref<32x512xf32, #tpu.memory_space<hbm>>) target_semaphore(%run_scoped3A : memref<!tpu.dma_semaphore, #tpu.memory_space<semaphore_mem>>)
      %dma_wait3A_11 = arith.constant 0 : i32
      %dma_wait3A_12 = tpu.memref_slice %arg4[%mul3A_2, %dma_wait3A_11] : memref<1024x512xf32, #tpu.memory_space<hbm>> -> memref<32x512xf32, #tpu.memory_space<hbm>>
      %dma_wait3A_13 = arith.constant 0 : i32
      %dma_wait3A_14 = tpu.memref_slice %arg4[%mul3A_2, %dma_wait3A_13] : memref<1024x512xf32, #tpu.memory_space<hbm>> -> memref<32x512xf32, #tpu.memory_space<hbm>>
      tpu.wait_dma2 semaphore(%run_scoped3A : memref<!tpu.dma_semaphore, #tpu.memory_space<semaphore_mem>>) src(%arg6 : memref<32x512xf32, #tpu.memory_space<vmem>>) dst(%dma_wait3A_14 : memref<32x512xf32, #tpu.memory_space<hbm>>)
      tpu.yield
    }) : () -> ()
    return
  }
}

module attributes {stable_mosaic.version = 14 : i64} {
  func.func @_dense_body(%arg0: memref<1024x512xf32, #tpu.memory_space<any>>, %arg1: memref<1024x1xi32, #tpu.memory_space<vmem>>, %arg2: memref<5xi32, #tpu.memory_space<smem>>, %arg3: memref<4xi32, #tpu.memory_space<smem>>, %arg4: memref<128x512xf32, #tpu.memory_space<vmem>>, %arg5: memref<512x2048xf32, #tpu.memory_space<any>>, %arg6: memref<512x512xf32, #tpu.memory_space<any>>, %arg7: memref<512x512xf32, #tpu.memory_space<any>>, %arg8: memref<512x3xf32, #tpu.memory_space<vmem>>, %arg9: memref<4x3xf32, #tpu.memory_space<vmem>>, %arg10: memref<1024x512xf32, #tpu.memory_space<vmem>>, %arg11: memref<512x512xf32, #tpu.memory_space<vmem>>, %arg12: memref<512x512xf32, #tpu.memory_space<vmem>>, %arg13: memref<512x512xf32, #tpu.memory_space<vmem>>, %arg14: memref<512x512xf32, #tpu.memory_space<vmem>>, %arg15: memref<512x512xf32, #tpu.memory_space<vmem>>, %arg16: memref<512x512xf32, #tpu.memory_space<vmem>>, %arg17: memref<7x!tpu.dma_semaphore, #tpu.memory_space<semaphore_mem>>) attributes {dimension_semantics = [], scalar_prefetch = 0 : i64, scratch_operands = 8 : i64, tpu.core_type = #tpu.core_type<tc>} {
    %dma_start3A = arith.constant 4 : i32
    %dma_start3A_0 = tpu.memref_slice %arg17[%dma_start3A] : memref<7x!tpu.dma_semaphore, #tpu.memory_space<semaphore_mem>> -> memref<1x!tpu.dma_semaphore, #tpu.memory_space<semaphore_mem>>
    %dma_start3A_1 = tpu.memref_squeeze %dma_start3A_0 : memref<1x!tpu.dma_semaphore, #tpu.memory_space<semaphore_mem>> -> memref<!tpu.dma_semaphore, #tpu.memory_space<semaphore_mem>>
    %dma_start3A_2 = arith.constant 0 : i32
    %dma_start3A_3 = arith.constant 1536 : i32
    %dma_start3A_4 = tpu.memref_slice %arg5[%dma_start3A_2, %dma_start3A_3] : memref<512x2048xf32, #tpu.memory_space<any>> -> memref<512x512xf32, #tpu.memory_space<any>>
    tpu.enqueue_dma source(%dma_start3A_4 : memref<512x512xf32, #tpu.memory_space<any>>) target(%arg14 : memref<512x512xf32, #tpu.memory_space<vmem>>) target_semaphore(%dma_start3A_1 : memref<!tpu.dma_semaphore, #tpu.memory_space<semaphore_mem>>)
    %dma_start3A_5 = arith.constant 2 : i32
    %dma_start3A_6 = tpu.memref_slice %arg17[%dma_start3A_5] : memref<7x!tpu.dma_semaphore, #tpu.memory_space<semaphore_mem>> -> memref<1x!tpu.dma_semaphore, #tpu.memory_space<semaphore_mem>>
    %dma_start3A_7 = tpu.memref_squeeze %dma_start3A_6 : memref<1x!tpu.dma_semaphore, #tpu.memory_space<semaphore_mem>> -> memref<!tpu.dma_semaphore, #tpu.memory_space<semaphore_mem>>
    %dma_start3A_8 = arith.constant 0 : i32
    %dma_start3A_9 = arith.constant 512 : i32
    %dma_start3A_10 = tpu.memref_slice %arg5[%dma_start3A_8, %dma_start3A_9] : memref<512x2048xf32, #tpu.memory_space<any>> -> memref<512x512xf32, #tpu.memory_space<any>>
    tpu.enqueue_dma source(%dma_start3A_10 : memref<512x512xf32, #tpu.memory_space<any>>) target(%arg12 : memref<512x512xf32, #tpu.memory_space<vmem>>) target_semaphore(%dma_start3A_7 : memref<!tpu.dma_semaphore, #tpu.memory_space<semaphore_mem>>)
    %dma_start3A_11 = arith.constant 0 : i32
    %dma_start3A_12 = tpu.memref_slice %arg17[%dma_start3A_11] : memref<7x!tpu.dma_semaphore, #tpu.memory_space<semaphore_mem>> -> memref<1x!tpu.dma_semaphore, #tpu.memory_space<semaphore_mem>>
    %dma_start3A_13 = tpu.memref_squeeze %dma_start3A_12 : memref<1x!tpu.dma_semaphore, #tpu.memory_space<semaphore_mem>> -> memref<!tpu.dma_semaphore, #tpu.memory_space<semaphore_mem>>
    tpu.enqueue_dma source(%arg0 : memref<1024x512xf32, #tpu.memory_space<any>>) target(%arg10 : memref<1024x512xf32, #tpu.memory_space<vmem>>) target_semaphore(%dma_start3A_13 : memref<!tpu.dma_semaphore, #tpu.memory_space<semaphore_mem>>)
    %dma_start3A_14 = arith.constant 3 : i32
    %dma_start3A_15 = tpu.memref_slice %arg17[%dma_start3A_14] : memref<7x!tpu.dma_semaphore, #tpu.memory_space<semaphore_mem>> -> memref<1x!tpu.dma_semaphore, #tpu.memory_space<semaphore_mem>>
    %dma_start3A_16 = tpu.memref_squeeze %dma_start3A_15 : memref<1x!tpu.dma_semaphore, #tpu.memory_space<semaphore_mem>> -> memref<!tpu.dma_semaphore, #tpu.memory_space<semaphore_mem>>
    %dma_start3A_17 = arith.constant 0 : i32
    %dma_start3A_18 = arith.constant 1024 : i32
    %dma_start3A_19 = tpu.memref_slice %arg5[%dma_start3A_17, %dma_start3A_18] : memref<512x2048xf32, #tpu.memory_space<any>> -> memref<512x512xf32, #tpu.memory_space<any>>
    tpu.enqueue_dma source(%dma_start3A_19 : memref<512x512xf32, #tpu.memory_space<any>>) target(%arg13 : memref<512x512xf32, #tpu.memory_space<vmem>>) target_semaphore(%dma_start3A_16 : memref<!tpu.dma_semaphore, #tpu.memory_space<semaphore_mem>>)
    %dma_start3A_20 = arith.constant 1 : i32
    %dma_start3A_21 = tpu.memref_slice %arg17[%dma_start3A_20] : memref<7x!tpu.dma_semaphore, #tpu.memory_space<semaphore_mem>> -> memref<1x!tpu.dma_semaphore, #tpu.memory_space<semaphore_mem>>
    %dma_start3A_22 = tpu.memref_squeeze %dma_start3A_21 : memref<1x!tpu.dma_semaphore, #tpu.memory_space<semaphore_mem>> -> memref<!tpu.dma_semaphore, #tpu.memory_space<semaphore_mem>>
    %dma_start3A_23 = arith.constant 0 : i32
    %dma_start3A_24 = arith.constant 0 : i32
    %dma_start3A_25 = tpu.memref_slice %arg5[%dma_start3A_23, %dma_start3A_24] : memref<512x2048xf32, #tpu.memory_space<any>> -> memref<512x512xf32, #tpu.memory_space<any>>
    tpu.enqueue_dma source(%dma_start3A_25 : memref<512x512xf32, #tpu.memory_space<any>>) target(%arg11 : memref<512x512xf32, #tpu.memory_space<vmem>>) target_semaphore(%dma_start3A_22 : memref<!tpu.dma_semaphore, #tpu.memory_space<semaphore_mem>>)
    %dma_start3A_26 = arith.constant 5 : i32
    %dma_start3A_27 = tpu.memref_slice %arg17[%dma_start3A_26] : memref<7x!tpu.dma_semaphore, #tpu.memory_space<semaphore_mem>> -> memref<1x!tpu.dma_semaphore, #tpu.memory_space<semaphore_mem>>
    %dma_start3A_28 = tpu.memref_squeeze %dma_start3A_27 : memref<1x!tpu.dma_semaphore, #tpu.memory_space<semaphore_mem>> -> memref<!tpu.dma_semaphore, #tpu.memory_space<semaphore_mem>>
    tpu.enqueue_dma source(%arg6 : memref<512x512xf32, #tpu.memory_space<any>>) target(%arg15 : memref<512x512xf32, #tpu.memory_space<vmem>>) target_semaphore(%dma_start3A_28 : memref<!tpu.dma_semaphore, #tpu.memory_space<semaphore_mem>>)
    %dma_start3A_29 = arith.constant 6 : i32
    %dma_start3A_30 = tpu.memref_slice %arg17[%dma_start3A_29] : memref<7x!tpu.dma_semaphore, #tpu.memory_space<semaphore_mem>> -> memref<1x!tpu.dma_semaphore, #tpu.memory_space<semaphore_mem>>
    %dma_start3A_31 = tpu.memref_squeeze %dma_start3A_30 : memref<1x!tpu.dma_semaphore, #tpu.memory_space<semaphore_mem>> -> memref<!tpu.dma_semaphore, #tpu.memory_space<semaphore_mem>>
    tpu.enqueue_dma source(%arg7 : memref<512x512xf32, #tpu.memory_space<any>>) target(%arg16 : memref<512x512xf32, #tpu.memory_space<vmem>>) target_semaphore(%dma_start3A_31 : memref<!tpu.dma_semaphore, #tpu.memory_space<semaphore_mem>>)
    %get3A = arith.constant 0 : index
    %get3A_32 = arith.constant 0 : index
    %get3A_33 = vector.load %arg1[%get3A, %get3A_32] : memref<1024x1xi32, #tpu.memory_space<vmem>>, vector<1024x1xi32>
    %iota3A = tpu.iota {dimensions = array<i32: 1>} : vector<1024x128xi32>
    %eq3A = vector.broadcast %get3A_33 : vector<1024x1xi32> to vector<1024x128xi32>
    %eq3A_34 = arith.cmpi eq, %eq3A, %iota3A : vector<1024x128xi32>
    %convert_element_type3A = arith.extui %eq3A_34 : vector<1024x128xi1> to vector<1024x128xi32>
    %convert_element_type3A_35 = arith.sitofp %convert_element_type3A : vector<1024x128xi32> to vector<1024x128xf32>
    %get3A_36 = arith.constant 0 : index
    %get3A_37 = arith.constant 0 : index
    %get3A_38 = vector.load %arg4[%get3A_36, %get3A_37] : memref<128x512xf32, #tpu.memory_space<vmem>>, vector<128x512xf32>
    %dot_general3A = arith.constant dense<0.000000e+00> : vector<1024x512xf32>
    %dot_general3A_39 = tpu.matmul %convert_element_type3A_35, %get3A_38, %dot_general3A {dimension_numbers = #tpu.dot_dimension_numbers<[1], [0], [0], [1], [0, 0, 1, 1], [], []>, precision = #tpu.contract_precision<fp32>, transpose_lhs_hint = false} : vector<1024x128xf32>, vector<128x512xf32>, vector<1024x512xf32> -> vector<1024x512xf32>
    %reduce_sum3A = arith.constant dense<0.000000e+00> : vector<1024xf32>
    %reduce_sum3A_40 = vector.multi_reduction <add>, %dot_general3A_39, %reduce_sum3A [1] : vector<1024x512xf32> to vector<1024xf32>
    %broadcast_in_dim3A = vector.shape_cast %reduce_sum3A_40 : vector<1024xf32> to vector<1024x1xf32>
    %div3A = arith.constant 5.120000e+02 : f32
    %div3A_41 = vector.broadcast %div3A : f32 to vector<1024x1xf32>
    %div3A_42 = arith.divf %broadcast_in_dim3A, %div3A_41 : vector<1024x1xf32>
    %sub3A = vector.broadcast %div3A_42 : vector<1024x1xf32> to vector<1024x512xf32>
    %sub3A_43 = arith.subf %dot_general3A_39, %sub3A : vector<1024x512xf32>
    %mul3A = arith.mulf %sub3A_43, %sub3A_43 : vector<1024x512xf32>
    %reduce_sum3A_44 = arith.constant dense<0.000000e+00> : vector<1024xf32>
    %reduce_sum3A_45 = vector.multi_reduction <add>, %mul3A, %reduce_sum3A_44 [1] : vector<1024x512xf32> to vector<1024xf32>
    %broadcast_in_dim3A_46 = vector.shape_cast %reduce_sum3A_45 : vector<1024xf32> to vector<1024x1xf32>
    %div3A_47 = arith.constant 5.120000e+02 : f32
    %div3A_48 = vector.broadcast %div3A_47 : f32 to vector<1024x1xf32>
    %div3A_49 = arith.divf %broadcast_in_dim3A_46, %div3A_48 : vector<1024x1xf32>
    %add3A = arith.constant 9.99999997E-7 : f32
    %add3A_50 = vector.broadcast %add3A : f32 to vector<1024x1xf32>
    %add3A_51 = arith.addf %div3A_49, %add3A_50 : vector<1024x1xf32>
    %sqrt3A = math.sqrt %add3A_51 : vector<1024x1xf32>
    %div3A_52 = vector.broadcast %sqrt3A : vector<1024x1xf32> to vector<1024x512xf32>
    %div3A_53 = arith.divf %sub3A_43, %div3A_52 : vector<1024x512xf32>
    %get3A_54 = arith.constant 0 : index
    %get3A_55 = memref.load %arg2[%get3A_54] : memref<5xi32, #tpu.memory_space<smem>>
    %get3A_56 = arith.constant 1 : index
    %get3A_57 = memref.load %arg2[%get3A_56] : memref<5xi32, #tpu.memory_space<smem>>
    %get3A_58 = arith.constant 2 : index
    %get3A_59 = memref.load %arg2[%get3A_58] : memref<5xi32, #tpu.memory_space<smem>>
    %get3A_60 = arith.constant 3 : index
    %get3A_61 = memref.load %arg2[%get3A_60] : memref<5xi32, #tpu.memory_space<smem>>
    %get3A_62 = arith.constant 4 : index
    %get3A_63 = memref.load %arg2[%get3A_62] : memref<5xi32, #tpu.memory_space<smem>>
    %sub3A_64 = arith.subi %get3A_57, %get3A_55 : i32
    %get3A_65 = arith.constant 0 : index
    %get3A_66 = memref.load %arg3[%get3A_65] : memref<4xi32, #tpu.memory_space<smem>>
    %min3A = arith.minsi %get3A_66, %sub3A_64 : i32
    %sub3A_67 = arith.subi %sub3A_64, %min3A : i32
    %min3A_68 = arith.constant 512 : i32
    %min3A_69 = arith.minsi %sub3A_64, %min3A_68 : i32
    %sub3A_70 = arith.subi %min3A_69, %sub3A_67 : i32
    %max3A = arith.constant 0 : i32
    %max3A_71 = arith.maxsi %sub3A_70, %max3A : i32
    %max3A_72 = arith.constant 1 : i32
    %max3A_73 = arith.maxsi %max3A_71, %max3A_72 : i32
    %convert_element_type3A_74 = arith.sitofp %max3A_73 : i32 to f32
    %div3A_75 = arith.constant 1.000000e+00 : f32
    %div3A_76 = arith.divf %div3A_75, %convert_element_type3A_74 : f32
    %sub3A_77 = arith.subi %get3A_59, %get3A_57 : i32
    %get3A_78 = arith.constant 1 : index
    %get3A_79 = memref.load %arg3[%get3A_78] : memref<4xi32, #tpu.memory_space<smem>>
    %min3A_80 = arith.minsi %get3A_79, %sub3A_77 : i32
    %sub3A_81 = arith.subi %sub3A_77, %min3A_80 : i32
    %min3A_82 = arith.constant 512 : i32
    %min3A_83 = arith.minsi %sub3A_77, %min3A_82 : i32
    %sub3A_84 = arith.subi %min3A_83, %sub3A_81 : i32
    %max3A_85 = arith.constant 0 : i32
    %max3A_86 = arith.maxsi %sub3A_84, %max3A_85 : i32
    %max3A_87 = arith.constant 1 : i32
    %max3A_88 = arith.maxsi %max3A_86, %max3A_87 : i32
    %convert_element_type3A_89 = arith.sitofp %max3A_88 : i32 to f32
    %div3A_90 = arith.constant 1.000000e+00 : f32
    %div3A_91 = arith.divf %div3A_90, %convert_element_type3A_89 : f32
    %sub3A_92 = arith.subi %get3A_61, %get3A_59 : i32
    %get3A_93 = arith.constant 2 : index
    %get3A_94 = memref.load %arg3[%get3A_93] : memref<4xi32, #tpu.memory_space<smem>>
    %min3A_95 = arith.minsi %get3A_94, %sub3A_92 : i32
    %sub3A_96 = arith.subi %sub3A_92, %min3A_95 : i32
    %min3A_97 = arith.constant 512 : i32
    %min3A_98 = arith.minsi %sub3A_92, %min3A_97 : i32
    %sub3A_99 = arith.subi %min3A_98, %sub3A_96 : i32
    %max3A_100 = arith.constant 0 : i32
    %max3A_101 = arith.maxsi %sub3A_99, %max3A_100 : i32
    %max3A_102 = arith.constant 1 : i32
    %max3A_103 = arith.maxsi %max3A_101, %max3A_102 : i32
    %convert_element_type3A_104 = arith.sitofp %max3A_103 : i32 to f32
    %div3A_105 = arith.constant 1.000000e+00 : f32
    %div3A_106 = arith.divf %div3A_105, %convert_element_type3A_104 : f32
    %sub3A_107 = arith.subi %get3A_63, %get3A_61 : i32
    %get3A_108 = arith.constant 3 : index
    %get3A_109 = memref.load %arg3[%get3A_108] : memref<4xi32, #tpu.memory_space<smem>>
    %min3A_110 = arith.minsi %get3A_109, %sub3A_107 : i32
    %sub3A_111 = arith.subi %sub3A_107, %min3A_110 : i32
    %min3A_112 = arith.constant 512 : i32
    %min3A_113 = arith.minsi %sub3A_107, %min3A_112 : i32
    %sub3A_114 = arith.subi %min3A_113, %sub3A_111 : i32
    %max3A_115 = arith.constant 0 : i32
    %max3A_116 = arith.maxsi %sub3A_114, %max3A_115 : i32
    %max3A_117 = arith.constant 1 : i32
    %max3A_118 = arith.maxsi %max3A_116, %max3A_117 : i32
    %convert_element_type3A_119 = arith.sitofp %max3A_118 : i32 to f32
    %div3A_120 = arith.constant 1.000000e+00 : f32
    %div3A_121 = arith.divf %div3A_120, %convert_element_type3A_119 : f32
    %iota3A_122 = tpu.iota {dimensions = array<i32: 0>} : vector<64x1024xi32>
    %iota3A_123 = tpu.iota {dimensions = array<i32: 1>} : vector<64x1024xi32>
    %jit3A = arith.constant 16 : i32
    %div3A_124 = vector.broadcast %jit3A : i32 to vector<64x1024xi32>
    %div3A_125 = arith.divsi %iota3A_122, %div3A_124 : vector<64x1024xi32>
    %sign3A = arith.constant 0 : i32
    %sign3A_126 = vector.broadcast %sign3A : i32 to vector<64x1024xi32>
    %sign3A_127 = arith.cmpi sgt, %iota3A_122, %sign3A_126 : vector<64x1024xi32>
    %sign3A_128 = arith.extui %sign3A_127 : vector<64x1024xi1> to vector<64x1024xi32>
    %sign3A_129 = arith.constant 0 : i32
    %sign3A_130 = vector.broadcast %sign3A_129 : i32 to vector<64x1024xi32>
    %sign3A_131 = arith.cmpi slt, %iota3A_122, %sign3A_130 : vector<64x1024xi32>
    %sign3A_132 = arith.extui %sign3A_131 : vector<64x1024xi1> to vector<64x1024xi32>
    %sign3A_133 = arith.subi %sign3A_128, %sign3A_132 : vector<64x1024xi32>
    %sign3A_134 = arith.constant 0 : i32
    %sign3A_135 = arith.cmpi sgt, %jit3A, %sign3A_134 : i32
    %sign3A_136 = arith.extui %sign3A_135 : i1 to i32
    %sign3A_137 = arith.constant 0 : i32
    %sign3A_138 = arith.cmpi slt, %jit3A, %sign3A_137 : i32
    %sign3A_139 = arith.extui %sign3A_138 : i1 to i32
    %sign3A_140 = arith.subi %sign3A_136, %sign3A_139 : i32
    %ne3A = vector.broadcast %sign3A_140 : i32 to vector<64x1024xi32>
    %ne3A_141 = arith.cmpi ne, %sign3A_133, %ne3A : vector<64x1024xi32>
    %rem3A = vector.broadcast %jit3A : i32 to vector<64x1024xi32>
    %rem3A_142 = arith.remsi %iota3A_122, %rem3A : vector<64x1024xi32>
    %ne3A_143 = arith.constant 0 : i32
    %ne3A_144 = vector.broadcast %ne3A_143 : i32 to vector<64x1024xi32>
    %ne3A_145 = arith.cmpi ne, %rem3A_142, %ne3A_144 : vector<64x1024xi32>
    %and3A = arith.andi %ne3A_141, %ne3A_145 : vector<64x1024xi1>
    %sub3A_146 = arith.constant 1 : i32
    %sub3A_147 = vector.broadcast %sub3A_146 : i32 to vector<64x1024xi32>
    %sub3A_148 = arith.subi %div3A_125, %sub3A_147 : vector<64x1024xi32>
    %select_n3A = arith.select %and3A, %sub3A_148, %div3A_125 : vector<64x1024xi1>, vector<64x1024xi32>
    %jit3A_149 = arith.constant 16 : i32
    %eq3A_150 = arith.constant 0 : i32
    %eq3A_151 = arith.cmpi eq, %jit3A_149, %eq3A_150 : i32
    %jit3A_152 = arith.constant 1 : i32
    %select_n3A_153 = arith.select %eq3A_151, %jit3A_152, %jit3A_149 : i32
    %rem3A_154 = vector.broadcast %select_n3A_153 : i32 to vector<64x1024xi32>
    %rem3A_155 = arith.remsi %iota3A_122, %rem3A_154 : vector<64x1024xi32>
    %ne3A_156 = arith.constant 0 : i32
    %ne3A_157 = vector.broadcast %ne3A_156 : i32 to vector<64x1024xi32>
    %ne3A_158 = arith.cmpi ne, %rem3A_155, %ne3A_157 : vector<64x1024xi32>
    %lt3A = arith.constant 0 : i32
    %lt3A_159 = vector.broadcast %lt3A : i32 to vector<64x1024xi32>
    %lt3A_160 = arith.cmpi slt, %rem3A_155, %lt3A_159 : vector<64x1024xi32>
    %lt3A_161 = arith.constant 0 : i32
    %lt3A_162 = arith.cmpi slt, %select_n3A_153, %lt3A_161 : i32
    %ne3A_163 = vector.broadcast %lt3A_162 : i1 to vector<64x1024xi1>
    %ne3A_164 = vector.broadcast %ne3A_163 : vector<64x1024xi1> to vector<64x1024xi1>
    %ne3A_165 = arith.xori %lt3A_160, %ne3A_164 : vector<64x1024xi1>
    %and3A_166 = arith.andi %ne3A_165, %ne3A_158 : vector<64x1024xi1>
    %add3A_167 = vector.broadcast %select_n3A_153 : i32 to vector<64x1024xi32>
    %add3A_168 = arith.addi %rem3A_155, %add3A_167 : vector<64x1024xi32>
    %select_n3A_169 = arith.select %and3A_166, %add3A_168, %rem3A_155 : vector<64x1024xi1>, vector<64x1024xi32>
    %eq3A_170 = arith.constant 2 : i32
    %eq3A_171 = vector.broadcast %eq3A_170 : i32 to vector<64x1024xi32>
    %eq3A_172 = arith.cmpi eq, %select_n3A, %eq3A_171 : vector<64x1024xi32>
    %broadcast_in_dim3A_173 = vector.broadcast %get3A_59 : i32 to vector<64x1024xi32>
    %broadcast_in_dim3A_174 = vector.broadcast %get3A_61 : i32 to vector<64x1024xi32>
    %select_n3A_175 = arith.select %eq3A_172, %broadcast_in_dim3A_173, %broadcast_in_dim3A_174 : vector<64x1024xi1>, vector<64x1024xi32>
    %eq3A_176 = arith.constant 1 : i32
    %eq3A_177 = vector.broadcast %eq3A_176 : i32 to vector<64x1024xi32>
    %eq3A_178 = arith.cmpi eq, %select_n3A, %eq3A_177 : vector<64x1024xi32>
    %broadcast_in_dim3A_179 = vector.broadcast %get3A_57 : i32 to vector<64x1024xi32>
    %select_n3A_180 = arith.select %eq3A_178, %broadcast_in_dim3A_179, %select_n3A_175 : vector<64x1024xi1>, vector<64x1024xi32>
    %eq3A_181 = arith.constant 0 : i32
    %eq3A_182 = vector.broadcast %eq3A_181 : i32 to vector<64x1024xi32>
    %eq3A_183 = arith.cmpi eq, %select_n3A, %eq3A_182 : vector<64x1024xi32>
    %broadcast_in_dim3A_184 = vector.broadcast %get3A_55 : i32 to vector<64x1024xi32>
    %select_n3A_185 = arith.select %eq3A_183, %broadcast_in_dim3A_184, %select_n3A_180 : vector<64x1024xi1>, vector<64x1024xi32>
    %eq3A_186 = arith.constant 2 : i32
    %eq3A_187 = vector.broadcast %eq3A_186 : i32 to vector<64x1024xi32>
    %eq3A_188 = arith.cmpi eq, %select_n3A, %eq3A_187 : vector<64x1024xi32>
    %broadcast_in_dim3A_189 = vector.broadcast %sub3A_96 : i32 to vector<64x1024xi32>
    %broadcast_in_dim3A_190 = vector.broadcast %sub3A_111 : i32 to vector<64x1024xi32>
    %select_n3A_191 = arith.select %eq3A_188, %broadcast_in_dim3A_189, %broadcast_in_dim3A_190 : vector<64x1024xi1>, vector<64x1024xi32>
    %eq3A_192 = arith.constant 1 : i32
    %eq3A_193 = vector.broadcast %eq3A_192 : i32 to vector<64x1024xi32>
    %eq3A_194 = arith.cmpi eq, %select_n3A, %eq3A_193 : vector<64x1024xi32>
    %broadcast_in_dim3A_195 = vector.broadcast %sub3A_81 : i32 to vector<64x1024xi32>
    %select_n3A_196 = arith.select %eq3A_194, %broadcast_in_dim3A_195, %select_n3A_191 : vector<64x1024xi1>, vector<64x1024xi32>
    %eq3A_197 = arith.constant 0 : i32
    %eq3A_198 = vector.broadcast %eq3A_197 : i32 to vector<64x1024xi32>
    %eq3A_199 = arith.cmpi eq, %select_n3A, %eq3A_198 : vector<64x1024xi32>
    %broadcast_in_dim3A_200 = vector.broadcast %sub3A_67 : i32 to vector<64x1024xi32>
    %select_n3A_201 = arith.select %eq3A_199, %broadcast_in_dim3A_200, %select_n3A_196 : vector<64x1024xi1>, vector<64x1024xi32>
    %eq3A_202 = arith.constant 2 : i32
    %eq3A_203 = vector.broadcast %eq3A_202 : i32 to vector<64x1024xi32>
    %eq3A_204 = arith.cmpi eq, %select_n3A, %eq3A_203 : vector<64x1024xi32>
    %broadcast_in_dim3A_205 = vector.broadcast %max3A_101 : i32 to vector<64x1024xi32>
    %broadcast_in_dim3A_206 = vector.broadcast %max3A_116 : i32 to vector<64x1024xi32>
    %select_n3A_207 = arith.select %eq3A_204, %broadcast_in_dim3A_205, %broadcast_in_dim3A_206 : vector<64x1024xi1>, vector<64x1024xi32>
    %eq3A_208 = arith.constant 1 : i32
    %eq3A_209 = vector.broadcast %eq3A_208 : i32 to vector<64x1024xi32>
    %eq3A_210 = arith.cmpi eq, %select_n3A, %eq3A_209 : vector<64x1024xi32>
    %broadcast_in_dim3A_211 = vector.broadcast %max3A_86 : i32 to vector<64x1024xi32>
    %select_n3A_212 = arith.select %eq3A_210, %broadcast_in_dim3A_211, %select_n3A_207 : vector<64x1024xi1>, vector<64x1024xi32>
    %eq3A_213 = arith.constant 0 : i32
    %eq3A_214 = vector.broadcast %eq3A_213 : i32 to vector<64x1024xi32>
    %eq3A_215 = arith.cmpi eq, %select_n3A, %eq3A_214 : vector<64x1024xi32>
    %broadcast_in_dim3A_216 = vector.broadcast %max3A_71 : i32 to vector<64x1024xi32>
    %select_n3A_217 = arith.select %eq3A_215, %broadcast_in_dim3A_216, %select_n3A_212 : vector<64x1024xi1>, vector<64x1024xi32>
    %ge3A = vector.broadcast %get3A_57 : i32 to vector<64x1024xi32>
    %ge3A_218 = arith.cmpi sge, %iota3A_123, %ge3A : vector<64x1024xi32>
    %convert_element_type3A_219 = arith.extui %ge3A_218 : vector<64x1024xi1> to vector<64x1024xi32>
    %ge3A_220 = vector.broadcast %get3A_59 : i32 to vector<64x1024xi32>
    %ge3A_221 = arith.cmpi sge, %iota3A_123, %ge3A_220 : vector<64x1024xi32>
    %convert_element_type3A_222 = arith.extui %ge3A_221 : vector<64x1024xi1> to vector<64x1024xi32>
    %add3A_223 = arith.addi %convert_element_type3A_219, %convert_element_type3A_222 : vector<64x1024xi32>
    %ge3A_224 = vector.broadcast %get3A_61 : i32 to vector<64x1024xi32>
    %ge3A_225 = arith.cmpi sge, %iota3A_123, %ge3A_224 : vector<64x1024xi32>
    %convert_element_type3A_226 = arith.extui %ge3A_225 : vector<64x1024xi1> to vector<64x1024xi32>
    %add3A_227 = arith.addi %add3A_223, %convert_element_type3A_226 : vector<64x1024xi32>
    %eq3A_228 = arith.constant 2 : i32
    %eq3A_229 = vector.broadcast %eq3A_228 : i32 to vector<64x1024xi32>
    %eq3A_230 = arith.cmpi eq, %add3A_227, %eq3A_229 : vector<64x1024xi32>
    %broadcast_in_dim3A_231 = vector.broadcast %get3A_59 : i32 to vector<64x1024xi32>
    %broadcast_in_dim3A_232 = vector.broadcast %get3A_61 : i32 to vector<64x1024xi32>
    %select_n3A_233 = arith.select %eq3A_230, %broadcast_in_dim3A_231, %broadcast_in_dim3A_232 : vector<64x1024xi1>, vector<64x1024xi32>
    %eq3A_234 = arith.constant 1 : i32
    %eq3A_235 = vector.broadcast %eq3A_234 : i32 to vector<64x1024xi32>
    %eq3A_236 = arith.cmpi eq, %add3A_227, %eq3A_235 : vector<64x1024xi32>
    %broadcast_in_dim3A_237 = vector.broadcast %get3A_57 : i32 to vector<64x1024xi32>
    %select_n3A_238 = arith.select %eq3A_236, %broadcast_in_dim3A_237, %select_n3A_233 : vector<64x1024xi1>, vector<64x1024xi32>
    %eq3A_239 = arith.constant 0 : i32
    %eq3A_240 = vector.broadcast %eq3A_239 : i32 to vector<64x1024xi32>
    %eq3A_241 = arith.cmpi eq, %add3A_227, %eq3A_240 : vector<64x1024xi32>
    %broadcast_in_dim3A_242 = vector.broadcast %get3A_55 : i32 to vector<64x1024xi32>
    %select_n3A_243 = arith.select %eq3A_241, %broadcast_in_dim3A_242, %select_n3A_238 : vector<64x1024xi1>, vector<64x1024xi32>
    %sub3A_244 = arith.subi %iota3A_123, %select_n3A_243 : vector<64x1024xi32>
    %add3A_245 = arith.addi %select_n3A_201, %select_n3A_169 : vector<64x1024xi32>
    %lt3A_246 = arith.cmpi slt, %select_n3A_169, %select_n3A_217 : vector<64x1024xi32>
    %eq3A_247 = arith.cmpi eq, %add3A_227, %select_n3A : vector<64x1024xi32>
    %lt3A_248 = arith.constant 512 : i32
    %lt3A_249 = vector.broadcast %lt3A_248 : i32 to vector<64x1024xi32>
    %lt3A_250 = arith.cmpi slt, %sub3A_244, %lt3A_249 : vector<64x1024xi32>
    %le3A = arith.cmpi sle, %sub3A_244, %add3A_245 : vector<64x1024xi32>
    %and3A_251 = arith.andi %eq3A_247, %le3A : vector<64x1024xi1>
    %and3A_252 = arith.andi %and3A_251, %lt3A_250 : vector<64x1024xi1>
    %and3A_253 = arith.andi %and3A_252, %lt3A_246 : vector<64x1024xi1>
    %convert_element_type3A_254 = arith.extui %and3A_253 : vector<64x1024xi1> to vector<64x1024xi32>
    %convert_element_type3A_255 = arith.sitofp %convert_element_type3A_254 : vector<64x1024xi32> to vector<64x1024xf32>
    %mul3A_256 = arith.constant 9.765625E-4 : f32
    %mul3A_257 = vector.broadcast %mul3A_256 : f32 to vector<64x1024xf32>
    %mul3A_258 = arith.mulf %convert_element_type3A_255, %mul3A_257 : vector<64x1024xf32>
    %lt3A_259 = arith.cmpi slt, %sub3A_244, %select_n3A_201 : vector<64x1024xi32>
    %and3A_260 = arith.andi %eq3A_247, %lt3A_259 : vector<64x1024xi1>
    %and3A_261 = arith.andi %and3A_260, %lt3A_250 : vector<64x1024xi1>
    %and3A_262 = arith.andi %and3A_261, %lt3A_246 : vector<64x1024xi1>
    %convert_element_type3A_263 = arith.extui %and3A_262 : vector<64x1024xi1> to vector<64x1024xi32>
    %convert_element_type3A_264 = arith.sitofp %convert_element_type3A_263 : vector<64x1024xi32> to vector<64x1024xf32>
    %mul3A_265 = arith.constant 9.765625E-4 : f32
    %mul3A_266 = vector.broadcast %mul3A_265 : f32 to vector<64x1024xf32>
    %mul3A_267 = arith.mulf %convert_element_type3A_264, %mul3A_266 : vector<64x1024xf32>
    %add3A_268 = arith.addi %select_n3A_185, %add3A_245 : vector<64x1024xi32>
    %eq3A_269 = arith.cmpi eq, %iota3A_123, %add3A_268 : vector<64x1024xi32>
    %and3A_270 = arith.andi %eq3A_269, %lt3A_246 : vector<64x1024xi1>
    %convert_element_type3A_271 = arith.extui %and3A_270 : vector<64x1024xi1> to vector<64x1024xi32>
    %convert_element_type3A_272 = arith.sitofp %convert_element_type3A_271 : vector<64x1024xi32> to vector<64x1024xf32>
    %iota3A_273 = tpu.iota {dimensions = array<i32: 0>} : vector<4x64xi32>
    %iota3A_274 = tpu.iota {dimensions = array<i32: 1>} : vector<4x64xi32>
    %jit3A_275 = arith.constant 16 : i32
    %div3A_276 = vector.broadcast %jit3A_275 : i32 to vector<4x64xi32>
    %div3A_277 = arith.divsi %iota3A_274, %div3A_276 : vector<4x64xi32>
    %sign3A_278 = arith.constant 0 : i32
    %sign3A_279 = vector.broadcast %sign3A_278 : i32 to vector<4x64xi32>
    %sign3A_280 = arith.cmpi sgt, %iota3A_274, %sign3A_279 : vector<4x64xi32>
    %sign3A_281 = arith.extui %sign3A_280 : vector<4x64xi1> to vector<4x64xi32>
    %sign3A_282 = arith.constant 0 : i32
    %sign3A_283 = vector.broadcast %sign3A_282 : i32 to vector<4x64xi32>
    %sign3A_284 = arith.cmpi slt, %iota3A_274, %sign3A_283 : vector<4x64xi32>
    %sign3A_285 = arith.extui %sign3A_284 : vector<4x64xi1> to vector<4x64xi32>
    %sign3A_286 = arith.subi %sign3A_281, %sign3A_285 : vector<4x64xi32>
    %sign3A_287 = arith.constant 0 : i32
    %sign3A_288 = arith.cmpi sgt, %jit3A_275, %sign3A_287 : i32
    %sign3A_289 = arith.extui %sign3A_288 : i1 to i32
    %sign3A_290 = arith.constant 0 : i32
    %sign3A_291 = arith.cmpi slt, %jit3A_275, %sign3A_290 : i32
    %sign3A_292 = arith.extui %sign3A_291 : i1 to i32
    %sign3A_293 = arith.subi %sign3A_289, %sign3A_292 : i32
    %ne3A_294 = vector.broadcast %sign3A_293 : i32 to vector<4x64xi32>
    %ne3A_295 = arith.cmpi ne, %sign3A_286, %ne3A_294 : vector<4x64xi32>
    %rem3A_296 = vector.broadcast %jit3A_275 : i32 to vector<4x64xi32>
    %rem3A_297 = arith.remsi %iota3A_274, %rem3A_296 : vector<4x64xi32>
    %ne3A_298 = arith.constant 0 : i32
    %ne3A_299 = vector.broadcast %ne3A_298 : i32 to vector<4x64xi32>
    %ne3A_300 = arith.cmpi ne, %rem3A_297, %ne3A_299 : vector<4x64xi32>
    %and3A_301 = arith.andi %ne3A_295, %ne3A_300 : vector<4x64xi1>
    %sub3A_302 = arith.constant 1 : i32
    %sub3A_303 = vector.broadcast %sub3A_302 : i32 to vector<4x64xi32>
    %sub3A_304 = arith.subi %div3A_277, %sub3A_303 : vector<4x64xi32>
    %select_n3A_305 = arith.select %and3A_301, %sub3A_304, %div3A_277 : vector<4x64xi1>, vector<4x64xi32>
    %jit3A_306 = arith.constant 16 : i32
    %eq3A_307 = arith.constant 0 : i32
    %eq3A_308 = arith.cmpi eq, %jit3A_306, %eq3A_307 : i32
    %jit3A_309 = arith.constant 1 : i32
    %select_n3A_310 = arith.select %eq3A_308, %jit3A_309, %jit3A_306 : i32
    %rem3A_311 = vector.broadcast %select_n3A_310 : i32 to vector<4x64xi32>
    %rem3A_312 = arith.remsi %iota3A_274, %rem3A_311 : vector<4x64xi32>
    %ne3A_313 = arith.constant 0 : i32
    %ne3A_314 = vector.broadcast %ne3A_313 : i32 to vector<4x64xi32>
    %ne3A_315 = arith.cmpi ne, %rem3A_312, %ne3A_314 : vector<4x64xi32>
    %lt3A_316 = arith.constant 0 : i32
    %lt3A_317 = vector.broadcast %lt3A_316 : i32 to vector<4x64xi32>
    %lt3A_318 = arith.cmpi slt, %rem3A_312, %lt3A_317 : vector<4x64xi32>
    %lt3A_319 = arith.constant 0 : i32
    %lt3A_320 = arith.cmpi slt, %select_n3A_310, %lt3A_319 : i32
    %ne3A_321 = vector.broadcast %lt3A_320 : i1 to vector<4x64xi1>
    %ne3A_322 = vector.broadcast %ne3A_321 : vector<4x64xi1> to vector<4x64xi1>
    %ne3A_323 = arith.xori %lt3A_318, %ne3A_322 : vector<4x64xi1>
    %and3A_324 = arith.andi %ne3A_323, %ne3A_315 : vector<4x64xi1>
    %add3A_325 = vector.broadcast %select_n3A_310 : i32 to vector<4x64xi32>
    %add3A_326 = arith.addi %rem3A_312, %add3A_325 : vector<4x64xi32>
    %select_n3A_327 = arith.select %and3A_324, %add3A_326, %rem3A_312 : vector<4x64xi1>, vector<4x64xi32>
    %eq3A_328 = arith.cmpi eq, %select_n3A_305, %iota3A_273 : vector<4x64xi32>
    %eq3A_329 = arith.constant 2 : i32
    %eq3A_330 = vector.broadcast %eq3A_329 : i32 to vector<4x64xi32>
    %eq3A_331 = arith.cmpi eq, %select_n3A_305, %eq3A_330 : vector<4x64xi32>
    %broadcast_in_dim3A_332 = vector.broadcast %max3A_101 : i32 to vector<4x64xi32>
    %broadcast_in_dim3A_333 = vector.broadcast %max3A_116 : i32 to vector<4x64xi32>
    %select_n3A_334 = arith.select %eq3A_331, %broadcast_in_dim3A_332, %broadcast_in_dim3A_333 : vector<4x64xi1>, vector<4x64xi32>
    %eq3A_335 = arith.constant 1 : i32
    %eq3A_336 = vector.broadcast %eq3A_335 : i32 to vector<4x64xi32>
    %eq3A_337 = arith.cmpi eq, %select_n3A_305, %eq3A_336 : vector<4x64xi32>
    %broadcast_in_dim3A_338 = vector.broadcast %max3A_86 : i32 to vector<4x64xi32>
    %select_n3A_339 = arith.select %eq3A_337, %broadcast_in_dim3A_338, %select_n3A_334 : vector<4x64xi1>, vector<4x64xi32>
    %eq3A_340 = arith.constant 0 : i32
    %eq3A_341 = vector.broadcast %eq3A_340 : i32 to vector<4x64xi32>
    %eq3A_342 = arith.cmpi eq, %select_n3A_305, %eq3A_341 : vector<4x64xi32>
    %broadcast_in_dim3A_343 = vector.broadcast %max3A_71 : i32 to vector<4x64xi32>
    %select_n3A_344 = arith.select %eq3A_342, %broadcast_in_dim3A_343, %select_n3A_339 : vector<4x64xi1>, vector<4x64xi32>
    %lt3A_345 = arith.cmpi slt, %select_n3A_327, %select_n3A_344 : vector<4x64xi32>
    %and3A_346 = arith.andi %eq3A_328, %lt3A_345 : vector<4x64xi1>
    %convert_element_type3A_347 = arith.extui %and3A_346 : vector<4x64xi1> to vector<4x64xi32>
    %convert_element_type3A_348 = arith.sitofp %convert_element_type3A_347 : vector<4x64xi32> to vector<4x64xf32>
    %eq3A_349 = arith.constant 2 : i32
    %eq3A_350 = vector.broadcast %eq3A_349 : i32 to vector<4x64xi32>
    %eq3A_351 = arith.cmpi eq, %select_n3A_305, %eq3A_350 : vector<4x64xi32>
    %broadcast_in_dim3A_352 = vector.broadcast %div3A_106 : f32 to vector<4x64xf32>
    %broadcast_in_dim3A_353 = vector.broadcast %div3A_121 : f32 to vector<4x64xf32>
    %select_n3A_354 = arith.select %eq3A_351, %broadcast_in_dim3A_352, %broadcast_in_dim3A_353 : vector<4x64xi1>, vector<4x64xf32>
    %eq3A_355 = arith.constant 1 : i32
    %eq3A_356 = vector.broadcast %eq3A_355 : i32 to vector<4x64xi32>
    %eq3A_357 = arith.cmpi eq, %select_n3A_305, %eq3A_356 : vector<4x64xi32>
    %broadcast_in_dim3A_358 = vector.broadcast %div3A_91 : f32 to vector<4x64xf32>
    %select_n3A_359 = arith.select %eq3A_357, %broadcast_in_dim3A_358, %select_n3A_354 : vector<4x64xi1>, vector<4x64xf32>
    %eq3A_360 = arith.constant 0 : i32
    %eq3A_361 = vector.broadcast %eq3A_360 : i32 to vector<4x64xi32>
    %eq3A_362 = arith.cmpi eq, %select_n3A_305, %eq3A_361 : vector<4x64xi32>
    %broadcast_in_dim3A_363 = vector.broadcast %div3A_76 : f32 to vector<4x64xf32>
    %select_n3A_364 = arith.select %eq3A_362, %broadcast_in_dim3A_363, %select_n3A_359 : vector<4x64xi1>, vector<4x64xf32>
    %mul3A_365 = arith.mulf %convert_element_type3A_348, %select_n3A_364 : vector<4x64xf32>
    %dma_wait3A = arith.constant 4 : i32
    %dma_wait3A_366 = tpu.memref_slice %arg17[%dma_wait3A] : memref<7x!tpu.dma_semaphore, #tpu.memory_space<semaphore_mem>> -> memref<1x!tpu.dma_semaphore, #tpu.memory_space<semaphore_mem>>
    %dma_wait3A_367 = tpu.memref_squeeze %dma_wait3A_366 : memref<1x!tpu.dma_semaphore, #tpu.memory_space<semaphore_mem>> -> memref<!tpu.dma_semaphore, #tpu.memory_space<semaphore_mem>>
    %dma_wait3A_368 = arith.constant 0 : i32
    %dma_wait3A_369 = arith.constant 1536 : i32
    %dma_wait3A_370 = tpu.memref_slice %arg5[%dma_wait3A_368, %dma_wait3A_369] : memref<512x2048xf32, #tpu.memory_space<any>> -> memref<512x512xf32, #tpu.memory_space<any>>
    tpu.wait_dma2 semaphore(%dma_wait3A_367 : memref<!tpu.dma_semaphore, #tpu.memory_space<semaphore_mem>>) src(%dma_wait3A_370 : memref<512x512xf32, #tpu.memory_space<any>>) dst(%arg14 : memref<512x512xf32, #tpu.memory_space<vmem>>)
    %get3A_371 = arith.constant 0 : index
    %get3A_372 = arith.constant 0 : index
    %get3A_373 = vector.load %arg14[%get3A_371, %get3A_372] : memref<512x512xf32, #tpu.memory_space<vmem>>, vector<512x512xf32>
    %dot_general3A_374 = arith.constant dense<0.000000e+00> : vector<1024x512xf32>
    %dot_general3A_375 = tpu.matmul %div3A_53, %get3A_373, %dot_general3A_374 {dimension_numbers = #tpu.dot_dimension_numbers<[1], [0], [0], [1], [0, 0, 1, 1], [], []>, transpose_lhs_hint = false} : vector<1024x512xf32>, vector<512x512xf32>, vector<1024x512xf32> -> vector<1024x512xf32>
    %logistic3A = arith.negf %dot_general3A_375 : vector<1024x512xf32>
    %logistic3A_376 = math.exp %logistic3A : vector<1024x512xf32>
    %logistic3A_377 = arith.constant 1.000000e+00 : f32
    %logistic3A_378 = vector.broadcast %logistic3A_377 : f32 to vector<1024x512xf32>
    %logistic3A_379 = arith.addf %logistic3A_378, %logistic3A_376 : vector<1024x512xf32>
    %logistic3A_380 = arith.divf %logistic3A_378, %logistic3A_379 : vector<1024x512xf32>
    %mul3A_381 = arith.mulf %dot_general3A_375, %logistic3A_380 : vector<1024x512xf32>
    %dma_wait3A_382 = arith.constant 2 : i32
    %dma_wait3A_383 = tpu.memref_slice %arg17[%dma_wait3A_382] : memref<7x!tpu.dma_semaphore, #tpu.memory_space<semaphore_mem>> -> memref<1x!tpu.dma_semaphore, #tpu.memory_space<semaphore_mem>>
    %dma_wait3A_384 = tpu.memref_squeeze %dma_wait3A_383 : memref<1x!tpu.dma_semaphore, #tpu.memory_space<semaphore_mem>> -> memref<!tpu.dma_semaphore, #tpu.memory_space<semaphore_mem>>
    %dma_wait3A_385 = arith.constant 0 : i32
    %dma_wait3A_386 = arith.constant 512 : i32
    %dma_wait3A_387 = tpu.memref_slice %arg5[%dma_wait3A_385, %dma_wait3A_386] : memref<512x2048xf32, #tpu.memory_space<any>> -> memref<512x512xf32, #tpu.memory_space<any>>
    tpu.wait_dma2 semaphore(%dma_wait3A_384 : memref<!tpu.dma_semaphore, #tpu.memory_space<semaphore_mem>>) src(%dma_wait3A_387 : memref<512x512xf32, #tpu.memory_space<any>>) dst(%arg12 : memref<512x512xf32, #tpu.memory_space<vmem>>)
    %get3A_388 = arith.constant 0 : index
    %get3A_389 = arith.constant 0 : index
    %get3A_390 = vector.load %arg12[%get3A_388, %get3A_389] : memref<512x512xf32, #tpu.memory_space<vmem>>, vector<512x512xf32>
    %dot_general3A_391 = arith.constant dense<0.000000e+00> : vector<1024x512xf32>
    %dot_general3A_392 = tpu.matmul %div3A_53, %get3A_390, %dot_general3A_391 {dimension_numbers = #tpu.dot_dimension_numbers<[1], [0], [0], [1], [0, 0, 1, 1], [], []>, transpose_lhs_hint = false} : vector<1024x512xf32>, vector<512x512xf32>, vector<1024x512xf32> -> vector<1024x512xf32>
    %logistic3A_393 = arith.negf %dot_general3A_392 : vector<1024x512xf32>
    %logistic3A_394 = math.exp %logistic3A_393 : vector<1024x512xf32>
    %logistic3A_395 = arith.constant 1.000000e+00 : f32
    %logistic3A_396 = vector.broadcast %logistic3A_395 : f32 to vector<1024x512xf32>
    %logistic3A_397 = arith.addf %logistic3A_396, %logistic3A_394 : vector<1024x512xf32>
    %logistic3A_398 = arith.divf %logistic3A_396, %logistic3A_397 : vector<1024x512xf32>
    %mul3A_399 = arith.mulf %dot_general3A_392, %logistic3A_398 : vector<1024x512xf32>
    %dma_wait3A_400 = arith.constant 0 : i32
    %dma_wait3A_401 = tpu.memref_slice %arg17[%dma_wait3A_400] : memref<7x!tpu.dma_semaphore, #tpu.memory_space<semaphore_mem>> -> memref<1x!tpu.dma_semaphore, #tpu.memory_space<semaphore_mem>>
    %dma_wait3A_402 = tpu.memref_squeeze %dma_wait3A_401 : memref<1x!tpu.dma_semaphore, #tpu.memory_space<semaphore_mem>> -> memref<!tpu.dma_semaphore, #tpu.memory_space<semaphore_mem>>
    tpu.wait_dma2 semaphore(%dma_wait3A_402 : memref<!tpu.dma_semaphore, #tpu.memory_space<semaphore_mem>>) src(%arg0 : memref<1024x512xf32, #tpu.memory_space<any>>) dst(%arg10 : memref<1024x512xf32, #tpu.memory_space<vmem>>)
    %get3A_403 = arith.constant 0 : index
    %get3A_404 = arith.constant 0 : index
    %get3A_405 = vector.load %arg10[%get3A_403, %get3A_404] : memref<1024x512xf32, #tpu.memory_space<vmem>>, vector<1024x512xf32>
    %reduce_sum3A_406 = arith.constant dense<0.000000e+00> : vector<1024xf32>
    %reduce_sum3A_407 = vector.multi_reduction <add>, %get3A_405, %reduce_sum3A_406 [1] : vector<1024x512xf32> to vector<1024xf32>
    %broadcast_in_dim3A_408 = vector.shape_cast %reduce_sum3A_407 : vector<1024xf32> to vector<1024x1xf32>
    %div3A_409 = arith.constant 5.120000e+02 : f32
    %div3A_410 = vector.broadcast %div3A_409 : f32 to vector<1024x1xf32>
    %div3A_411 = arith.divf %broadcast_in_dim3A_408, %div3A_410 : vector<1024x1xf32>
    %sub3A_412 = vector.broadcast %div3A_411 : vector<1024x1xf32> to vector<1024x512xf32>
    %sub3A_413 = arith.subf %get3A_405, %sub3A_412 : vector<1024x512xf32>
    %mul3A_414 = arith.mulf %sub3A_413, %sub3A_413 : vector<1024x512xf32>
    %reduce_sum3A_415 = arith.constant dense<0.000000e+00> : vector<1024xf32>
    %reduce_sum3A_416 = vector.multi_reduction <add>, %mul3A_414, %reduce_sum3A_415 [1] : vector<1024x512xf32> to vector<1024xf32>
    %broadcast_in_dim3A_417 = vector.shape_cast %reduce_sum3A_416 : vector<1024xf32> to vector<1024x1xf32>
    %div3A_418 = arith.constant 5.120000e+02 : f32
    %div3A_419 = vector.broadcast %div3A_418 : f32 to vector<1024x1xf32>
    %div3A_420 = arith.divf %broadcast_in_dim3A_417, %div3A_419 : vector<1024x1xf32>
    %add3A_421 = arith.constant 9.99999997E-7 : f32
    %add3A_422 = vector.broadcast %add3A_421 : f32 to vector<1024x1xf32>
    %add3A_423 = arith.addf %div3A_420, %add3A_422 : vector<1024x1xf32>
    %sqrt3A_424 = math.sqrt %add3A_423 : vector<1024x1xf32>
    %div3A_425 = vector.broadcast %sqrt3A_424 : vector<1024x1xf32> to vector<1024x512xf32>
    %div3A_426 = arith.divf %sub3A_413, %div3A_425 : vector<1024x512xf32>
    %get3A_427 = arith.constant 0 : index
    %get3A_428 = arith.constant 0 : index
    %get3A_429 = vector.load %arg14[%get3A_427, %get3A_428] : memref<512x512xf32, #tpu.memory_space<vmem>>, vector<512x512xf32>
    %dot_general3A_430 = arith.constant dense<0.000000e+00> : vector<1024x512xf32>
    %dot_general3A_431 = tpu.matmul %div3A_426, %get3A_429, %dot_general3A_430 {dimension_numbers = #tpu.dot_dimension_numbers<[1], [0], [0], [1], [0, 0, 1, 1], [], []>, transpose_lhs_hint = false} : vector<1024x512xf32>, vector<512x512xf32>, vector<1024x512xf32> -> vector<1024x512xf32>
    %logistic3A_432 = arith.negf %dot_general3A_431 : vector<1024x512xf32>
    %logistic3A_433 = math.exp %logistic3A_432 : vector<1024x512xf32>
    %logistic3A_434 = arith.constant 1.000000e+00 : f32
    %logistic3A_435 = vector.broadcast %logistic3A_434 : f32 to vector<1024x512xf32>
    %logistic3A_436 = arith.addf %logistic3A_435, %logistic3A_433 : vector<1024x512xf32>
    %logistic3A_437 = arith.divf %logistic3A_435, %logistic3A_436 : vector<1024x512xf32>
    %mul3A_438 = arith.mulf %dot_general3A_431, %logistic3A_437 : vector<1024x512xf32>
    %get3A_439 = arith.constant 0 : index
    %get3A_440 = arith.constant 0 : index
    %get3A_441 = vector.load %arg12[%get3A_439, %get3A_440] : memref<512x512xf32, #tpu.memory_space<vmem>>, vector<512x512xf32>
    %dot_general3A_442 = arith.constant dense<0.000000e+00> : vector<1024x512xf32>
    %dot_general3A_443 = tpu.matmul %div3A_426, %get3A_441, %dot_general3A_442 {dimension_numbers = #tpu.dot_dimension_numbers<[1], [0], [0], [1], [0, 0, 1, 1], [], []>, transpose_lhs_hint = false} : vector<1024x512xf32>, vector<512x512xf32>, vector<1024x512xf32> -> vector<1024x512xf32>
    %logistic3A_444 = arith.negf %dot_general3A_443 : vector<1024x512xf32>
    %logistic3A_445 = math.exp %logistic3A_444 : vector<1024x512xf32>
    %logistic3A_446 = arith.constant 1.000000e+00 : f32
    %logistic3A_447 = vector.broadcast %logistic3A_446 : f32 to vector<1024x512xf32>
    %logistic3A_448 = arith.addf %logistic3A_447, %logistic3A_445 : vector<1024x512xf32>
    %logistic3A_449 = arith.divf %logistic3A_447, %logistic3A_448 : vector<1024x512xf32>
    %mul3A_450 = arith.mulf %dot_general3A_443, %logistic3A_449 : vector<1024x512xf32>
    %dot_general3A_451 = arith.constant dense<0.000000e+00> : vector<64x512xf32>
    %dot_general3A_452 = tpu.matmul %convert_element_type3A_272, %get3A_405, %dot_general3A_451 {dimension_numbers = #tpu.dot_dimension_numbers<[1], [0], [0], [1], [0, 0, 1, 1], [], []>, precision = #tpu.contract_precision<fp32>, transpose_lhs_hint = false} : vector<64x1024xf32>, vector<1024x512xf32>, vector<64x512xf32> -> vector<64x512xf32>
    %dot_general3A_453 = arith.constant dense<0.000000e+00> : vector<64x512xf32>
    %dot_general3A_454 = tpu.matmul %convert_element_type3A_272, %div3A_426, %dot_general3A_453 {dimension_numbers = #tpu.dot_dimension_numbers<[1], [0], [0], [1], [0, 0, 1, 1], [], []>, precision = #tpu.contract_precision<fp32>, transpose_lhs_hint = false} : vector<64x1024xf32>, vector<1024x512xf32>, vector<64x512xf32> -> vector<64x512xf32>
    %dma_wait3A_455 = arith.constant 3 : i32
    %dma_wait3A_456 = tpu.memref_slice %arg17[%dma_wait3A_455] : memref<7x!tpu.dma_semaphore, #tpu.memory_space<semaphore_mem>> -> memref<1x!tpu.dma_semaphore, #tpu.memory_space<semaphore_mem>>
    %dma_wait3A_457 = tpu.memref_squeeze %dma_wait3A_456 : memref<1x!tpu.dma_semaphore, #tpu.memory_space<semaphore_mem>> -> memref<!tpu.dma_semaphore, #tpu.memory_space<semaphore_mem>>
    %dma_wait3A_458 = arith.constant 0 : i32
    %dma_wait3A_459 = arith.constant 1024 : i32
    %dma_wait3A_460 = tpu.memref_slice %arg5[%dma_wait3A_458, %dma_wait3A_459] : memref<512x2048xf32, #tpu.memory_space<any>> -> memref<512x512xf32, #tpu.memory_space<any>>
    tpu.wait_dma2 semaphore(%dma_wait3A_457 : memref<!tpu.dma_semaphore, #tpu.memory_space<semaphore_mem>>) src(%dma_wait3A_460 : memref<512x512xf32, #tpu.memory_space<any>>) dst(%arg13 : memref<512x512xf32, #tpu.memory_space<vmem>>)
    %get3A_461 = arith.constant 0 : index
    %get3A_462 = arith.constant 0 : index
    %get3A_463 = vector.load %arg13[%get3A_461, %get3A_462] : memref<512x512xf32, #tpu.memory_space<vmem>>, vector<512x512xf32>
    %dot_general3A_464 = arith.constant dense<0.000000e+00> : vector<64x512xf32>
    %dot_general3A_465 = tpu.matmul %dot_general3A_454, %get3A_463, %dot_general3A_464 {dimension_numbers = #tpu.dot_dimension_numbers<[1], [0], [0], [1], [0, 0, 1, 1], [], []>, transpose_lhs_hint = false} : vector<64x512xf32>, vector<512x512xf32>, vector<64x512xf32> -> vector<64x512xf32>
    %logistic3A_466 = arith.negf %dot_general3A_465 : vector<64x512xf32>
    %logistic3A_467 = math.exp %logistic3A_466 : vector<64x512xf32>
    %logistic3A_468 = arith.constant 1.000000e+00 : f32
    %logistic3A_469 = vector.broadcast %logistic3A_468 : f32 to vector<64x512xf32>
    %logistic3A_470 = arith.addf %logistic3A_469, %logistic3A_467 : vector<64x512xf32>
    %logistic3A_471 = arith.divf %logistic3A_469, %logistic3A_470 : vector<64x512xf32>
    %mul3A_472 = arith.mulf %dot_general3A_465, %logistic3A_471 : vector<64x512xf32>
    %dma_wait3A_473 = arith.constant 1 : i32
    %dma_wait3A_474 = tpu.memref_slice %arg17[%dma_wait3A_473] : memref<7x!tpu.dma_semaphore, #tpu.memory_space<semaphore_mem>> -> memref<1x!tpu.dma_semaphore, #tpu.memory_space<semaphore_mem>>
    %dma_wait3A_475 = tpu.memref_squeeze %dma_wait3A_474 : memref<1x!tpu.dma_semaphore, #tpu.memory_space<semaphore_mem>> -> memref<!tpu.dma_semaphore, #tpu.memory_space<semaphore_mem>>
    %dma_wait3A_476 = arith.constant 0 : i32
    %dma_wait3A_477 = arith.constant 0 : i32
    %dma_wait3A_478 = tpu.memref_slice %arg5[%dma_wait3A_476, %dma_wait3A_477] : memref<512x2048xf32, #tpu.memory_space<any>> -> memref<512x512xf32, #tpu.memory_space<any>>
    tpu.wait_dma2 semaphore(%dma_wait3A_475 : memref<!tpu.dma_semaphore, #tpu.memory_space<semaphore_mem>>) src(%dma_wait3A_478 : memref<512x512xf32, #tpu.memory_space<any>>) dst(%arg11 : memref<512x512xf32, #tpu.memory_space<vmem>>)
    %get3A_479 = arith.constant 0 : index
    %get3A_480 = arith.constant 0 : index
    %get3A_481 = vector.load %arg11[%get3A_479, %get3A_480] : memref<512x512xf32, #tpu.memory_space<vmem>>, vector<512x512xf32>
    %dot_general3A_482 = arith.constant dense<0.000000e+00> : vector<64x512xf32>
    %dot_general3A_483 = tpu.matmul %dot_general3A_454, %get3A_481, %dot_general3A_482 {dimension_numbers = #tpu.dot_dimension_numbers<[1], [0], [0], [1], [0, 0, 1, 1], [], []>, transpose_lhs_hint = false} : vector<64x512xf32>, vector<512x512xf32>, vector<64x512xf32> -> vector<64x512xf32>
    %logistic3A_484 = arith.negf %dot_general3A_483 : vector<64x512xf32>
    %logistic3A_485 = math.exp %logistic3A_484 : vector<64x512xf32>
    %logistic3A_486 = arith.constant 1.000000e+00 : f32
    %logistic3A_487 = vector.broadcast %logistic3A_486 : f32 to vector<64x512xf32>
    %logistic3A_488 = arith.addf %logistic3A_487, %logistic3A_485 : vector<64x512xf32>
    %logistic3A_489 = arith.divf %logistic3A_487, %logistic3A_488 : vector<64x512xf32>
    %mul3A_490 = arith.mulf %dot_general3A_483, %logistic3A_489 : vector<64x512xf32>
    %slice3A = vector.extract_strided_slice %mul3A_472 {offsets = [0, 0], sizes = [64, 128], strides = [1, 1]} : vector<64x512xf32> to vector<64x128xf32>
    %slice3A_491 = vector.extract_strided_slice %mul3A_438 {offsets = [0, 0], sizes = [1024, 128], strides = [1, 1]} : vector<1024x512xf32> to vector<1024x128xf32>
    %dot_general3A_492 = arith.constant dense<0.000000e+00> : vector<64x1024xf32>
    %dot_general3A_493 = tpu.matmul %slice3A, %slice3A_491, %dot_general3A_492 {dimension_numbers = #tpu.dot_dimension_numbers<[1], [1], [0], [0], [0, 0, 1, 0], [], []>, transpose_lhs_hint = false} : vector<64x128xf32>, vector<1024x128xf32>, vector<64x1024xf32> -> vector<64x1024xf32>
    %slice3A_494 = vector.extract_strided_slice %mul3A_472 {offsets = [0, 0], sizes = [64, 128], strides = [1, 1]} : vector<64x512xf32> to vector<64x128xf32>
    %slice3A_495 = vector.extract_strided_slice %mul3A_381 {offsets = [0, 0], sizes = [1024, 128], strides = [1, 1]} : vector<1024x512xf32> to vector<1024x128xf32>
    %dot_general3A_496 = arith.constant dense<0.000000e+00> : vector<64x1024xf32>
    %dot_general3A_497 = tpu.matmul %slice3A_494, %slice3A_495, %dot_general3A_496 {dimension_numbers = #tpu.dot_dimension_numbers<[1], [1], [0], [0], [0, 0, 1, 0], [], []>, transpose_lhs_hint = false} : vector<64x128xf32>, vector<1024x128xf32>, vector<64x1024xf32> -> vector<64x1024xf32>
    %logistic3A_498 = arith.negf %dot_general3A_493 : vector<64x1024xf32>
    %logistic3A_499 = math.exp %logistic3A_498 : vector<64x1024xf32>
    %logistic3A_500 = arith.constant 1.000000e+00 : f32
    %logistic3A_501 = vector.broadcast %logistic3A_500 : f32 to vector<64x1024xf32>
    %logistic3A_502 = arith.addf %logistic3A_501, %logistic3A_499 : vector<64x1024xf32>
    %logistic3A_503 = arith.divf %logistic3A_501, %logistic3A_502 : vector<64x1024xf32>
    %mul3A_504 = arith.mulf %dot_general3A_493, %logistic3A_503 : vector<64x1024xf32>
    %mul3A_505 = arith.mulf %mul3A_504, %mul3A_258 : vector<64x1024xf32>
    %logistic3A_506 = arith.negf %dot_general3A_497 : vector<64x1024xf32>
    %logistic3A_507 = math.exp %logistic3A_506 : vector<64x1024xf32>
    %logistic3A_508 = arith.constant 1.000000e+00 : f32
    %logistic3A_509 = vector.broadcast %logistic3A_508 : f32 to vector<64x1024xf32>
    %logistic3A_510 = arith.addf %logistic3A_509, %logistic3A_507 : vector<64x1024xf32>
    %logistic3A_511 = arith.divf %logistic3A_509, %logistic3A_510 : vector<64x1024xf32>
    %mul3A_512 = arith.mulf %dot_general3A_497, %logistic3A_511 : vector<64x1024xf32>
    %mul3A_513 = arith.mulf %mul3A_512, %mul3A_267 : vector<64x1024xf32>
    %slice3A_514 = vector.extract_strided_slice %mul3A_450 {offsets = [0, 0], sizes = [1024, 128], strides = [1, 1]} : vector<1024x512xf32> to vector<1024x128xf32>
    %dot_general3A_515 = arith.constant dense<0.000000e+00> : vector<64x128xf32>
    %dot_general3A_516 = tpu.matmul %mul3A_505, %slice3A_514, %dot_general3A_515 {dimension_numbers = #tpu.dot_dimension_numbers<[1], [0], [0], [1], [0, 0, 1, 1], [], []>, transpose_lhs_hint = false} : vector<64x1024xf32>, vector<1024x128xf32>, vector<64x128xf32> -> vector<64x128xf32>
    %slice3A_517 = vector.extract_strided_slice %mul3A_399 {offsets = [0, 0], sizes = [1024, 128], strides = [1, 1]} : vector<1024x512xf32> to vector<1024x128xf32>
    %dot_general3A_518 = arith.constant dense<0.000000e+00> : vector<64x128xf32>
    %dot_general3A_519 = tpu.matmul %mul3A_513, %slice3A_517, %dot_general3A_518 {dimension_numbers = #tpu.dot_dimension_numbers<[1], [0], [0], [1], [0, 0, 1, 1], [], []>, transpose_lhs_hint = false} : vector<64x1024xf32>, vector<1024x128xf32>, vector<64x128xf32> -> vector<64x128xf32>
    %add3A_520 = arith.addf %dot_general3A_516, %dot_general3A_519 : vector<64x128xf32>
    %slice3A_521 = vector.extract_strided_slice %mul3A_472 {offsets = [0, 128], sizes = [64, 128], strides = [1, 1]} : vector<64x512xf32> to vector<64x128xf32>
    %slice3A_522 = vector.extract_strided_slice %mul3A_438 {offsets = [0, 128], sizes = [1024, 128], strides = [1, 1]} : vector<1024x512xf32> to vector<1024x128xf32>
    %dot_general3A_523 = arith.constant dense<0.000000e+00> : vector<64x1024xf32>
    %dot_general3A_524 = tpu.matmul %slice3A_521, %slice3A_522, %dot_general3A_523 {dimension_numbers = #tpu.dot_dimension_numbers<[1], [1], [0], [0], [0, 0, 1, 0], [], []>, transpose_lhs_hint = false} : vector<64x128xf32>, vector<1024x128xf32>, vector<64x1024xf32> -> vector<64x1024xf32>
    %slice3A_525 = vector.extract_strided_slice %mul3A_472 {offsets = [0, 128], sizes = [64, 128], strides = [1, 1]} : vector<64x512xf32> to vector<64x128xf32>
    %slice3A_526 = vector.extract_strided_slice %mul3A_381 {offsets = [0, 128], sizes = [1024, 128], strides = [1, 1]} : vector<1024x512xf32> to vector<1024x128xf32>
    %dot_general3A_527 = arith.constant dense<0.000000e+00> : vector<64x1024xf32>
    %dot_general3A_528 = tpu.matmul %slice3A_525, %slice3A_526, %dot_general3A_527 {dimension_numbers = #tpu.dot_dimension_numbers<[1], [1], [0], [0], [0, 0, 1, 0], [], []>, transpose_lhs_hint = false} : vector<64x128xf32>, vector<1024x128xf32>, vector<64x1024xf32> -> vector<64x1024xf32>
    %logistic3A_529 = arith.negf %dot_general3A_524 : vector<64x1024xf32>
    %logistic3A_530 = math.exp %logistic3A_529 : vector<64x1024xf32>
    %logistic3A_531 = arith.constant 1.000000e+00 : f32
    %logistic3A_532 = vector.broadcast %logistic3A_531 : f32 to vector<64x1024xf32>
    %logistic3A_533 = arith.addf %logistic3A_532, %logistic3A_530 : vector<64x1024xf32>
    %logistic3A_534 = arith.divf %logistic3A_532, %logistic3A_533 : vector<64x1024xf32>
    %mul3A_535 = arith.mulf %dot_general3A_524, %logistic3A_534 : vector<64x1024xf32>
    %mul3A_536 = arith.mulf %mul3A_535, %mul3A_258 : vector<64x1024xf32>
    %logistic3A_537 = arith.negf %dot_general3A_528 : vector<64x1024xf32>
    %logistic3A_538 = math.exp %logistic3A_537 : vector<64x1024xf32>
    %logistic3A_539 = arith.constant 1.000000e+00 : f32
    %logistic3A_540 = vector.broadcast %logistic3A_539 : f32 to vector<64x1024xf32>
    %logistic3A_541 = arith.addf %logistic3A_540, %logistic3A_538 : vector<64x1024xf32>
    %logistic3A_542 = arith.divf %logistic3A_540, %logistic3A_541 : vector<64x1024xf32>
    %mul3A_543 = arith.mulf %dot_general3A_528, %logistic3A_542 : vector<64x1024xf32>
    %mul3A_544 = arith.mulf %mul3A_543, %mul3A_267 : vector<64x1024xf32>
    %slice3A_545 = vector.extract_strided_slice %mul3A_450 {offsets = [0, 128], sizes = [1024, 128], strides = [1, 1]} : vector<1024x512xf32> to vector<1024x128xf32>
    %dot_general3A_546 = arith.constant dense<0.000000e+00> : vector<64x128xf32>
    %dot_general3A_547 = tpu.matmul %mul3A_536, %slice3A_545, %dot_general3A_546 {dimension_numbers = #tpu.dot_dimension_numbers<[1], [0], [0], [1], [0, 0, 1, 1], [], []>, transpose_lhs_hint = false} : vector<64x1024xf32>, vector<1024x128xf32>, vector<64x128xf32> -> vector<64x128xf32>
    %slice3A_548 = vector.extract_strided_slice %mul3A_399 {offsets = [0, 128], sizes = [1024, 128], strides = [1, 1]} : vector<1024x512xf32> to vector<1024x128xf32>
    %dot_general3A_549 = arith.constant dense<0.000000e+00> : vector<64x128xf32>
    %dot_general3A_550 = tpu.matmul %mul3A_544, %slice3A_548, %dot_general3A_549 {dimension_numbers = #tpu.dot_dimension_numbers<[1], [0], [0], [1], [0, 0, 1, 1], [], []>, transpose_lhs_hint = false} : vector<64x1024xf32>, vector<1024x128xf32>, vector<64x128xf32> -> vector<64x128xf32>
    %add3A_551 = arith.addf %dot_general3A_547, %dot_general3A_550 : vector<64x128xf32>
    %slice3A_552 = vector.extract_strided_slice %mul3A_472 {offsets = [0, 256], sizes = [64, 128], strides = [1, 1]} : vector<64x512xf32> to vector<64x128xf32>
    %slice3A_553 = vector.extract_strided_slice %mul3A_438 {offsets = [0, 256], sizes = [1024, 128], strides = [1, 1]} : vector<1024x512xf32> to vector<1024x128xf32>
    %dot_general3A_554 = arith.constant dense<0.000000e+00> : vector<64x1024xf32>
    %dot_general3A_555 = tpu.matmul %slice3A_552, %slice3A_553, %dot_general3A_554 {dimension_numbers = #tpu.dot_dimension_numbers<[1], [1], [0], [0], [0, 0, 1, 0], [], []>, transpose_lhs_hint = false} : vector<64x128xf32>, vector<1024x128xf32>, vector<64x1024xf32> -> vector<64x1024xf32>
    %slice3A_556 = vector.extract_strided_slice %mul3A_472 {offsets = [0, 256], sizes = [64, 128], strides = [1, 1]} : vector<64x512xf32> to vector<64x128xf32>
    %slice3A_557 = vector.extract_strided_slice %mul3A_381 {offsets = [0, 256], sizes = [1024, 128], strides = [1, 1]} : vector<1024x512xf32> to vector<1024x128xf32>
    %dot_general3A_558 = arith.constant dense<0.000000e+00> : vector<64x1024xf32>
    %dot_general3A_559 = tpu.matmul %slice3A_556, %slice3A_557, %dot_general3A_558 {dimension_numbers = #tpu.dot_dimension_numbers<[1], [1], [0], [0], [0, 0, 1, 0], [], []>, transpose_lhs_hint = false} : vector<64x128xf32>, vector<1024x128xf32>, vector<64x1024xf32> -> vector<64x1024xf32>
    %logistic3A_560 = arith.negf %dot_general3A_555 : vector<64x1024xf32>
    %logistic3A_561 = math.exp %logistic3A_560 : vector<64x1024xf32>
    %logistic3A_562 = arith.constant 1.000000e+00 : f32
    %logistic3A_563 = vector.broadcast %logistic3A_562 : f32 to vector<64x1024xf32>
    %logistic3A_564 = arith.addf %logistic3A_563, %logistic3A_561 : vector<64x1024xf32>
    %logistic3A_565 = arith.divf %logistic3A_563, %logistic3A_564 : vector<64x1024xf32>
    %mul3A_566 = arith.mulf %dot_general3A_555, %logistic3A_565 : vector<64x1024xf32>
    %mul3A_567 = arith.mulf %mul3A_566, %mul3A_258 : vector<64x1024xf32>
    %logistic3A_568 = arith.negf %dot_general3A_559 : vector<64x1024xf32>
    %logistic3A_569 = math.exp %logistic3A_568 : vector<64x1024xf32>
    %logistic3A_570 = arith.constant 1.000000e+00 : f32
    %logistic3A_571 = vector.broadcast %logistic3A_570 : f32 to vector<64x1024xf32>
    %logistic3A_572 = arith.addf %logistic3A_571, %logistic3A_569 : vector<64x1024xf32>
    %logistic3A_573 = arith.divf %logistic3A_571, %logistic3A_572 : vector<64x1024xf32>
    %mul3A_574 = arith.mulf %dot_general3A_559, %logistic3A_573 : vector<64x1024xf32>
    %mul3A_575 = arith.mulf %mul3A_574, %mul3A_267 : vector<64x1024xf32>
    %slice3A_576 = vector.extract_strided_slice %mul3A_450 {offsets = [0, 256], sizes = [1024, 128], strides = [1, 1]} : vector<1024x512xf32> to vector<1024x128xf32>
    %dot_general3A_577 = arith.constant dense<0.000000e+00> : vector<64x128xf32>
    %dot_general3A_578 = tpu.matmul %mul3A_567, %slice3A_576, %dot_general3A_577 {dimension_numbers = #tpu.dot_dimension_numbers<[1], [0], [0], [1], [0, 0, 1, 1], [], []>, transpose_lhs_hint = false} : vector<64x1024xf32>, vector<1024x128xf32>, vector<64x128xf32> -> vector<64x128xf32>
    %slice3A_579 = vector.extract_strided_slice %mul3A_399 {offsets = [0, 256], sizes = [1024, 128], strides = [1, 1]} : vector<1024x512xf32> to vector<1024x128xf32>
    %dot_general3A_580 = arith.constant dense<0.000000e+00> : vector<64x128xf32>
    %dot_general3A_581 = tpu.matmul %mul3A_575, %slice3A_579, %dot_general3A_580 {dimension_numbers = #tpu.dot_dimension_numbers<[1], [0], [0], [1], [0, 0, 1, 1], [], []>, transpose_lhs_hint = false} : vector<64x1024xf32>, vector<1024x128xf32>, vector<64x128xf32> -> vector<64x128xf32>
    %add3A_582 = arith.addf %dot_general3A_578, %dot_general3A_581 : vector<64x128xf32>
    %slice3A_583 = vector.extract_strided_slice %mul3A_472 {offsets = [0, 384], sizes = [64, 128], strides = [1, 1]} : vector<64x512xf32> to vector<64x128xf32>
    %slice3A_584 = vector.extract_strided_slice %mul3A_438 {offsets = [0, 384], sizes = [1024, 128], strides = [1, 1]} : vector<1024x512xf32> to vector<1024x128xf32>
    %dot_general3A_585 = arith.constant dense<0.000000e+00> : vector<64x1024xf32>
    %dot_general3A_586 = tpu.matmul %slice3A_583, %slice3A_584, %dot_general3A_585 {dimension_numbers = #tpu.dot_dimension_numbers<[1], [1], [0], [0], [0, 0, 1, 0], [], []>, transpose_lhs_hint = false} : vector<64x128xf32>, vector<1024x128xf32>, vector<64x1024xf32> -> vector<64x1024xf32>
    %slice3A_587 = vector.extract_strided_slice %mul3A_472 {offsets = [0, 384], sizes = [64, 128], strides = [1, 1]} : vector<64x512xf32> to vector<64x128xf32>
    %slice3A_588 = vector.extract_strided_slice %mul3A_381 {offsets = [0, 384], sizes = [1024, 128], strides = [1, 1]} : vector<1024x512xf32> to vector<1024x128xf32>
    %dot_general3A_589 = arith.constant dense<0.000000e+00> : vector<64x1024xf32>
    %dot_general3A_590 = tpu.matmul %slice3A_587, %slice3A_588, %dot_general3A_589 {dimension_numbers = #tpu.dot_dimension_numbers<[1], [1], [0], [0], [0, 0, 1, 0], [], []>, transpose_lhs_hint = false} : vector<64x128xf32>, vector<1024x128xf32>, vector<64x1024xf32> -> vector<64x1024xf32>
    %logistic3A_591 = arith.negf %dot_general3A_586 : vector<64x1024xf32>
    %logistic3A_592 = math.exp %logistic3A_591 : vector<64x1024xf32>
    %logistic3A_593 = arith.constant 1.000000e+00 : f32
    %logistic3A_594 = vector.broadcast %logistic3A_593 : f32 to vector<64x1024xf32>
    %logistic3A_595 = arith.addf %logistic3A_594, %logistic3A_592 : vector<64x1024xf32>
    %logistic3A_596 = arith.divf %logistic3A_594, %logistic3A_595 : vector<64x1024xf32>
    %mul3A_597 = arith.mulf %dot_general3A_586, %logistic3A_596 : vector<64x1024xf32>
    %mul3A_598 = arith.mulf %mul3A_597, %mul3A_258 : vector<64x1024xf32>
    %logistic3A_599 = arith.negf %dot_general3A_590 : vector<64x1024xf32>
    %logistic3A_600 = math.exp %logistic3A_599 : vector<64x1024xf32>
    %logistic3A_601 = arith.constant 1.000000e+00 : f32
    %logistic3A_602 = vector.broadcast %logistic3A_601 : f32 to vector<64x1024xf32>
    %logistic3A_603 = arith.addf %logistic3A_602, %logistic3A_600 : vector<64x1024xf32>
    %logistic3A_604 = arith.divf %logistic3A_602, %logistic3A_603 : vector<64x1024xf32>
    %mul3A_605 = arith.mulf %dot_general3A_590, %logistic3A_604 : vector<64x1024xf32>
    %mul3A_606 = arith.mulf %mul3A_605, %mul3A_267 : vector<64x1024xf32>
    %slice3A_607 = vector.extract_strided_slice %mul3A_450 {offsets = [0, 384], sizes = [1024, 128], strides = [1, 1]} : vector<1024x512xf32> to vector<1024x128xf32>
    %dot_general3A_608 = arith.constant dense<0.000000e+00> : vector<64x128xf32>
    %dot_general3A_609 = tpu.matmul %mul3A_598, %slice3A_607, %dot_general3A_608 {dimension_numbers = #tpu.dot_dimension_numbers<[1], [0], [0], [1], [0, 0, 1, 1], [], []>, transpose_lhs_hint = false} : vector<64x1024xf32>, vector<1024x128xf32>, vector<64x128xf32> -> vector<64x128xf32>
    %slice3A_610 = vector.extract_strided_slice %mul3A_399 {offsets = [0, 384], sizes = [1024, 128], strides = [1, 1]} : vector<1024x512xf32> to vector<1024x128xf32>
    %dot_general3A_611 = arith.constant dense<0.000000e+00> : vector<64x128xf32>
    %dot_general3A_612 = tpu.matmul %mul3A_606, %slice3A_610, %dot_general3A_611 {dimension_numbers = #tpu.dot_dimension_numbers<[1], [0], [0], [1], [0, 0, 1, 1], [], []>, transpose_lhs_hint = false} : vector<64x1024xf32>, vector<1024x128xf32>, vector<64x128xf32> -> vector<64x128xf32>
    %add3A_613 = arith.addf %dot_general3A_609, %dot_general3A_612 : vector<64x128xf32>
    %concatenate3A = tpu.concatenate %add3A_520, %add3A_551, %add3A_582, %add3A_613 in 1 : vector<64x128xf32>, vector<64x128xf32>, vector<64x128xf32>, vector<64x128xf32> -> vector<64x512xf32>
    %dma_wait3A_614 = arith.constant 5 : i32
    %dma_wait3A_615 = tpu.memref_slice %arg17[%dma_wait3A_614] : memref<7x!tpu.dma_semaphore, #tpu.memory_space<semaphore_mem>> -> memref<1x!tpu.dma_semaphore, #tpu.memory_space<semaphore_mem>>
    %dma_wait3A_616 = tpu.memref_squeeze %dma_wait3A_615 : memref<1x!tpu.dma_semaphore, #tpu.memory_space<semaphore_mem>> -> memref<!tpu.dma_semaphore, #tpu.memory_space<semaphore_mem>>
    tpu.wait_dma2 semaphore(%dma_wait3A_616 : memref<!tpu.dma_semaphore, #tpu.memory_space<semaphore_mem>>) src(%arg6 : memref<512x512xf32, #tpu.memory_space<any>>) dst(%arg15 : memref<512x512xf32, #tpu.memory_space<vmem>>)
    %reduce_sum3A_617 = arith.constant dense<0.000000e+00> : vector<64xf32>
    %reduce_sum3A_618 = vector.multi_reduction <add>, %concatenate3A, %reduce_sum3A_617 [1] : vector<64x512xf32> to vector<64xf32>
    %broadcast_in_dim3A_619 = vector.shape_cast %reduce_sum3A_618 : vector<64xf32> to vector<64x1xf32>
    %div3A_620 = arith.constant 5.120000e+02 : f32
    %div3A_621 = vector.broadcast %div3A_620 : f32 to vector<64x1xf32>
    %div3A_622 = arith.divf %broadcast_in_dim3A_619, %div3A_621 : vector<64x1xf32>
    %sub3A_623 = vector.broadcast %div3A_622 : vector<64x1xf32> to vector<64x512xf32>
    %sub3A_624 = arith.subf %concatenate3A, %sub3A_623 : vector<64x512xf32>
    %mul3A_625 = arith.mulf %sub3A_624, %sub3A_624 : vector<64x512xf32>
    %reduce_sum3A_626 = arith.constant dense<0.000000e+00> : vector<64xf32>
    %reduce_sum3A_627 = vector.multi_reduction <add>, %mul3A_625, %reduce_sum3A_626 [1] : vector<64x512xf32> to vector<64xf32>
    %broadcast_in_dim3A_628 = vector.shape_cast %reduce_sum3A_627 : vector<64xf32> to vector<64x1xf32>
    %div3A_629 = arith.constant 5.120000e+02 : f32
    %div3A_630 = vector.broadcast %div3A_629 : f32 to vector<64x1xf32>
    %div3A_631 = arith.divf %broadcast_in_dim3A_628, %div3A_630 : vector<64x1xf32>
    %add3A_632 = arith.constant 9.99999997E-7 : f32
    %add3A_633 = vector.broadcast %add3A_632 : f32 to vector<64x1xf32>
    %add3A_634 = arith.addf %div3A_631, %add3A_633 : vector<64x1xf32>
    %sqrt3A_635 = math.sqrt %add3A_634 : vector<64x1xf32>
    %div3A_636 = vector.broadcast %sqrt3A_635 : vector<64x1xf32> to vector<64x512xf32>
    %div3A_637 = arith.divf %sub3A_624, %div3A_636 : vector<64x512xf32>
    %mul3A_638 = arith.mulf %div3A_637, %mul3A_490 : vector<64x512xf32>
    %get3A_639 = arith.constant 0 : index
    %get3A_640 = arith.constant 0 : index
    %get3A_641 = vector.load %arg15[%get3A_639, %get3A_640] : memref<512x512xf32, #tpu.memory_space<vmem>>, vector<512x512xf32>
    %dot_general3A_642 = arith.constant dense<0.000000e+00> : vector<64x512xf32>
    %dot_general3A_643 = tpu.matmul %mul3A_638, %get3A_641, %dot_general3A_642 {dimension_numbers = #tpu.dot_dimension_numbers<[1], [0], [0], [1], [0, 0, 1, 1], [], []>, transpose_lhs_hint = false} : vector<64x512xf32>, vector<512x512xf32>, vector<64x512xf32> -> vector<64x512xf32>
    %add3A_644 = arith.addf %dot_general3A_452, %dot_general3A_643 : vector<64x512xf32>
    %dot_general3A_645 = arith.constant dense<0.000000e+00> : vector<4x512xf32>
    %dot_general3A_646 = tpu.matmul %mul3A_365, %add3A_644, %dot_general3A_645 {dimension_numbers = #tpu.dot_dimension_numbers<[1], [0], [0], [1], [0, 0, 1, 1], [], []>, precision = #tpu.contract_precision<fp32>, transpose_lhs_hint = false} : vector<4x64xf32>, vector<64x512xf32>, vector<4x512xf32> -> vector<4x512xf32>
    %dma_wait3A_647 = arith.constant 6 : i32
    %dma_wait3A_648 = tpu.memref_slice %arg17[%dma_wait3A_647] : memref<7x!tpu.dma_semaphore, #tpu.memory_space<semaphore_mem>> -> memref<1x!tpu.dma_semaphore, #tpu.memory_space<semaphore_mem>>
    %dma_wait3A_649 = tpu.memref_squeeze %dma_wait3A_648 : memref<1x!tpu.dma_semaphore, #tpu.memory_space<semaphore_mem>> -> memref<!tpu.dma_semaphore, #tpu.memory_space<semaphore_mem>>
    tpu.wait_dma2 semaphore(%dma_wait3A_649 : memref<!tpu.dma_semaphore, #tpu.memory_space<semaphore_mem>>) src(%arg7 : memref<512x512xf32, #tpu.memory_space<any>>) dst(%arg16 : memref<512x512xf32, #tpu.memory_space<vmem>>)
    %get3A_650 = arith.constant 0 : index
    %get3A_651 = arith.constant 0 : index
    %get3A_652 = vector.load %arg16[%get3A_650, %get3A_651] : memref<512x512xf32, #tpu.memory_space<vmem>>, vector<512x512xf32>
    %dot_general3A_653 = arith.constant dense<0.000000e+00> : vector<4x512xf32>
    %dot_general3A_654 = tpu.matmul %dot_general3A_646, %get3A_652, %dot_general3A_653 {dimension_numbers = #tpu.dot_dimension_numbers<[1], [0], [0], [1], [0, 0, 1, 1], [], []>, transpose_lhs_hint = false} : vector<4x512xf32>, vector<512x512xf32>, vector<4x512xf32> -> vector<4x512xf32>
    %max3A_655 = arith.constant 0.000000e+00 : f32
    %max3A_656 = vector.broadcast %max3A_655 : f32 to vector<4x512xf32>
    %max3A_657 = arith.maximumf %dot_general3A_654, %max3A_656 : vector<4x512xf32>
    %get3A_658 = arith.constant 0 : index
    %get3A_659 = arith.constant 0 : index
    %get3A_660 = vector.load %arg8[%get3A_658, %get3A_659] : memref<512x3xf32, #tpu.memory_space<vmem>>, vector<512x3xf32>
    %dot_general3A_661 = arith.constant dense<0.000000e+00> : vector<4x3xf32>
    %dot_general3A_662 = tpu.matmul %max3A_657, %get3A_660, %dot_general3A_661 {dimension_numbers = #tpu.dot_dimension_numbers<[1], [0], [0], [1], [0, 0, 1, 1], [], []>, transpose_lhs_hint = false} : vector<4x512xf32>, vector<512x3xf32>, vector<4x3xf32> -> vector<4x3xf32>
    %swap3A = arith.constant 0 : index
    %swap3A_663 = arith.constant 0 : index
    %swap3A_664 = vector.load %arg9[%swap3A, %swap3A_663] : memref<4x3xf32, #tpu.memory_space<vmem>>, vector<4x3xf32>
    tpu.vector_store %arg9[%swap3A, %swap3A_663], %dot_general3A_662 {strides = array<i32>} : memref<4x3xf32, #tpu.memory_space<vmem>>, vector<4x3xf32>,
    return
  }
}

</mosaic_0001>

<sc_bundles>
// kernel: kernel.4.cloned.1.call-start
scs
__scs_entry_jumppad:
0x0: {  	(pc) =	sbr.rel $0x88, $3  }
0x1: {  	(tag) =	ssettag $0x0;
	lr =	simm.s32 $0x1  }
0x2: {  	[smem:$0x3F97] =	sst lr;
	_ =	strace $0xD0000000  }
0x3: {  	_ = 	snop  }
0x4: {  	_ = 	snop  }
0x5: {  	_ = 	snop  }
0x6: {  	_ = 	snop  }
0x7: {  	_ = 	snop  }
__scs_overlays_trampoline_lowered:
0x8: {  	[smem:$0x3FA6] =	sst s0  }
0x9: {  	[smem:$0x3FA7] =	sst s1  }
0xa: {  	[smem:$0x3FA8] =	sst s2  }
0xb: {  	[smem:$0x3FA9] =	sst s3  }
0xc: {  	[smem:$0x3FAA] =	sst s4  }
0xd: {  	[smem:$0x3FAB] =	sst s5  }
0xe: {  	[smem:$0x3FAC] =	sst s6  }
0xf: {  	[smem:$0x3FAD] =	sst s7  }
0x10: {  	[smem:$0x3FAE] =	sst s8  }
0x11: {  	[smem:$0x3FAF] =	sst s9;
	s0 =	simm.s32 @!p0 $0x0  }
0x12: {  	s1 =	sld [smem:$0x3F95];
	s0 =	simm.s32 @p0 $0x1  }
0x13: {  	[smem:$0x3FB0] =	sst s0;
	s0 =	simm.s32 @!p1 $0x0  }
0x14: {  	s2 =	sld [smem:$0x3F94];
	s0 =	simm.s32 @p1 $0x1  }
0x15: {  	[smem:$0x3FB1] =	sst s0;
	s0 =	simm.s32 @!p2 $0x0  }
0x16: {  	s3 =	sld [smem:$0x3FDB];
	s0 =	simm.s32 @p2 $0x1  }
0x17: {  	s4 =	simm.s32 $0x1BF5;
	[smem:$0x3FB3] =	sst s0  }
0x18: {  	s0 =	sld [smem:$0x3F96];
	_ =	swait.ge [sflag:s4], $0x0  }
0x19: {  	s7 =	sld [smem:$0x3F97]  }
0x1a: {  	s8 =	sadd.s32 $0xFFFFE003, lr  }
0x1b: {  	s9 =	sadd.s32 $0xFFFFFEF7, lr;
	s5 =	simm.s32 $0xFFFFFFFF;
	p2 =	slt.u32 s8, $0xFFFFF086  }
0x1c: {  	p1 =	slt.u32 s9, $0xF7A;
	s5 =	simm.s32 @!p2 $0x0  }
0x1d: {  	s5 =	simm.s32 @p1 $0x1;
	p0 =	seq.s32 s7, s2  }
0x1e: {  	s7 =	smul.u32 @!p0 $0xF7A, s2;
	p2 =	seq.s32 @!p0 s5, $0x0  }
0x1f: {  	s9 =	smul.u32 $0xF7A, s1;
	s8 =	simm.s32 @!p0 $0x1BF5;
	p2 =	por !p2, p0  }
0x20: {  	[sflag:s8] =	ssyncset.s32 @!p0 $0xFFFFF086;
	s6 =	sadd.s32 @!p0 s3, s7;
	s7 =	simm.s32 @!p0 $0x108  }
0x21: {  	s3 =	sadd.s32 s3, s9;
	s6 =	sadd.s32 @!p0 $0x88, s6;
	s7 =	simm.s32 @p2 $0x1082  }
0x22: {  	[simem:s7], [sflag:s8] =	dma.local @!p0 [hbm:s6], $0xF7A  }
0x23: {  	s9 =	sor.u32 $0xD0000000, s2;
	s6 =	simm.s32 $0x108;
	_ =	swait.ge @!p0 [sflag:s8], $0x0  }
0x24: {  	s3 =	sadd.s32 $0x88, s3;
	s6 =	simm.s32 @!p1 $0x1082;
	[sflag:s4] =	ssyncset.s32 $0xFFFFF086  }
0x25: {  	[simem:s6], [sflag:s4] =	dma.local [hbm:s3], $0xF7A  }
0x26: {  	[smem:$0x3F97] =	sst s1;
	(tag) =	ssettag s2;
	_ =	strace s9  }
0x27: {  	s1 =	sld [smem:$0x3FA7]  }
0x28: {  	s2 =	sld [smem:$0x3FA8]  }
0x29: {  	s4 =	sld [smem:$0x3FAA]  }
0x2a: {  	p0 =	seq.s32 s5, $0x0;
	s5 =	sld [smem:$0x3FAB]  }
0x2b: {  	s6 =	sld [smem:$0x3FAC]  }
0x2c: {  	s7 =	sld [smem:$0x3FAD]  }
0x2d: {  	s3 =	simm.s32 $0x108;
	s8 =	sld [smem:$0x3FAE]  }
0x2e: {  	s3 =	simm.s32 @!p0 $0x1082;
	s9 =	sld [smem:$0x3FAF]  }
0x2f: {  	lr =	sadd.s32 s0, s3;
	s0 =	sld [smem:$0x3FA6]  }
0x30: {  	s3 =	sld [smem:$0x3FA9]  }
0x31: {  	[smem:$0x3FB2] =	sst s10  }
0x32: {  	s10 =	sld [smem:$0x3FB0];
	_ =	sdelay $0x3  }
0x33: {  	p0 =	seq.s32 s10, $0x1;
	s10 =	sld [smem:$0x3FB2];
	_ =	sdelay $0x3  }
0x34: {  	[smem:$0x3FB2] =	sst s10  }
0x35: {  	s10 =	sld [smem:$0x3FB1];
	_ =	sdelay $0x3  }
0x36: {  	p1 =	seq.s32 s10, $0x1;
	s10 =	sld [smem:$0x3FB2];
	_ =	sdelay $0x3  }
0x37: {  	[smem:$0x3FB2] =	sst s10  }
0x38: {  	s10 =	sld [smem:$0x3FB3]  }
0x39: {  	_ = 	snop;
	(pc) =	sbr.ind lr, $3  }
0x3a: {  	_ = 	snop  }
0x3b: {  	_ = 	snop  }
0x3c: {  	p2 =	seq.s32 s10, $0x1;
	s10 =	sld [smem:$0x3FB2]  }
0x3d: {  	_ =	shalt  }
0x3e: {  	_ =	shalt  }
0x3f: {  	_ =	shalt  }
0x40: {  	_ =	shalt  }
0x41: {  	_ =	shalt  }
0x42: {  	_ =	shalt  }
0x43: {  	_ =	shalt  }
0x44: {  	_ =	shalt  }
0x45: {  	_ =	shalt  }
0x46: {  	_ =	shalt  }
0x47: {  	_ =	shalt  }
0x48: {  	_ =	shalt  }
0x49: {  	_ =	shalt  }
0x4a: {  	_ =	shalt  }
0x4b: {  	_ =	shalt  }
0x4c: {  	_ =	shalt  }
0x4d: {  	_ =	shalt  }
0x4e: {  	_ =	shalt  }
0x4f: {  	_ =	shalt  }
0x50: {  	_ =	shalt  }
0x51: {  	_ =	shalt  }
0x52: {  	_ =	shalt  }
0x53: {  	_ =	shalt  }
0x54: {  	_ =	shalt  }
0x55: {  	_ =	shalt  }
0x56: {  	_ =	shalt  }
0x57: {  	_ =	shalt  }
0x58: {  	_ =	shalt  }
0x59: {  	_ =	shalt  }
0x5a: {  	_ =	shalt  }
0x5b: {  	_ =	shalt  }
0x5c: {  	_ =	shalt  }
0x5d: {  	_ =	shalt  }
0x5e: {  	_ =	shalt  }
0x5f: {  	_ =	shalt  }
0x60: {  	_ =	shalt  }
0x61: {  	_ =	shalt  }
0x62: {  	_ =	shalt  }
0x63: {  	_ =	shalt  }
0x64: {  	_ =	shalt  }
0x65: {  	_ =	shalt  }
0x66: {  	_ =	shalt  }
0x67: {  	_ =	shalt  }
0x68: {  	_ =	shalt  }
0x69: {  	_ =	shalt  }
0x6a: {  	_ =	shalt  }
0x6b: {  	_ =	shalt  }
0x6c: {  	_ =	shalt  }
0x6d: {  	_ =	shalt  }
0x6e: {  	_ =	shalt  }
0x6f: {  	_ =	shalt  }
0x70: {  	_ =	shalt  }
0x71: {  	_ =	shalt  }
0x72: {  	_ =	shalt  }
0x73: {  	_ =	shalt  }
0x74: {  	_ =	shalt  }
0x75: {  	_ =	shalt  }
0x76: {  	_ =	shalt  }
0x77: {  	_ =	shalt  }
0x78: {  	_ =	shalt  }
0x79: {  	_ =	shalt  }
0x7a: {  	_ =	shalt  }
0x7b: {  	_ =	shalt  }
0x7c: {  	_ =	shalt  }
0x7d: {  	_ =	shalt  }
0x7e: {  	_ =	shalt  }
0x7f: {  	_ =	shalt  }
0x80: {  	_ =	shalt  }
0x81: {  	_ =	shalt  }
0x82: {  	_ =	shalt  }
0x83: {  	_ =	shalt  }
0x84: {  	_ =	shalt  }
0x85: {  	_ =	shalt  }
0x86: {  	_ =	shalt  }
0x87: {  	_ =	shalt  }
.Lfunc_end0:
.L_simem_size_0:
called_computation_lowered:
.L_overlay_start_0:
0x88: {  	s2 =	sld [smem:$0x3FD9]  }
0x89: {  	s3 =	sld [smem:$0x3FFE];
	_ =	sdelay $0x1  }
0x8a: {  	s1 =	srdreg.scid  }
0x8b: {  	s0 =	sand.u32 $0x1, s1  }
0x8c: {  	s17 =	sshll.u32 s0, $0xA;
	s2 =	sadd.s32 s3, s2  }
0x8d: {  	s2 =	sadd.s32 s2, s17  }
0x8e: {  	[smem:$0x3FBE] =	sst s2  }
0x8f: {  	_ = 	snop  }
0x90: {  	s2 =	sld [smem:$0x3FC9]  }
0x91: {  	s18 =	sld [smem:$0x3FC5];
	(tm) =	ssettm $0x1  }
0x92: {  	s4 =	sld [smem:$0x3FFB];
	_ =	sdelay $0x3  }
0x93: {  	_ =	strace s4  }
0x94: {  	s4 =	sld [smem:$0x3FFC];
	_ =	sdelay $0x3  }
0x95: {  	_ =	strace s4  }
0x96: {  	s4 =	sld [smem:$0x3FFD];
	_ =	sdelay $0x3  }
0x97: {  	_ =	strace s4  }
0x98: {  	_ =	strace $0x8FFFFFFF  }
0x99: {  	s19 =	sld [smem:$0x3FDB];
	_ =	sdelay $0x1  }
0x9a: {  	s5 =	simm.s32 $_scs_section_size  }
0x9b: {  	s6 =	simm.s32 $_size__tile_overlayer_lowered;
	s7 =	simm.s32 $_tile_overlayer_lowered  }
0x9c: {  	s22 =	simm.s32 $0x1BFF;
	s21 =	sshll.u32 s7, $0x1;
	s4 =	sadd.s32 s5, s19  }
0x9d: {  	s8 =	simm.s32 $0x0;
	s20 =	sshll.u32 s6, $0x1;
	s6 =	sadd.s32 s21, s4  }
0x9e: {  	[timem:s8], [sflag:s22] =	dma.local [hbm:s6], s20  }
0x9f: {  	_ =	swait.ge [sflag:s22], s20  }
0xa0: {  	s5 =	ssub.s32 $0x0, s20;
	[sflag:s22] =	ssyncset.done $0x0  }
0xa1: {  	[sflag:s22] =	ssyncadd.s32 s5;
	_ =	sdelay $0x1  }
0xa2: {  	s23 =	simm.s32 $0x1B8B  }
0xa3: {  	_ =	swait.ge [sflag:s23], $0x1  }
0xa4: {  	[sflag:s23] =	ssyncset.done $0x0  }
0xa5: {  	s25 =	simm.s32 $0x1B8E;
	s24 =	sld [smem:$0x3FFE];
	[sflag:s23] =	ssyncadd.s32 $0xFFFFFFFF  }
0xa6: {  	s26 =	simm.s32 $execute0_lowered;
	[smem:$0x3FD2] =	sst s25  }
0xa7: {  	s6 =	sshll.u32 s26, $0x1;
	_ =	strace $0x80000046;
	[dreg:$0x1] =	wrdreg $0xFFFFFFFF  }
0xa8: {  	s28 =	simm.s32 $_size_execute0_lowered;
	s4 =	sadd.s32 s4, s6;
	[dreg:$0x0] =	wrdreg $0x0  }
0xa9: {  	s6 =	sshll.u32 s28, $0x1;
	[dreg:$0x2] =	wrdreg s4  }
0xaa: {  	[dreg:$0x3] =	wrdreg s6  }
0xab: {  	[dreg:$0x4] =	wrdreg $0xC0  }
0xac: {  	_ =	task [dreg:s8], $0x5FFFF  }
0xad: {  	[dreg:$0x1] =	wrdreg $0xFFFFFFFF  }
0xae: {  	[dreg:$0x0] =	wrdreg $0x60  }
0xaf: {  	[dreg:$0x2] =	wrdreg s18  }
0xb0: {  	[dreg:$0x3] =	wrdreg s2  }
0xb1: {  	[dreg:$0x4] =	wrdreg s24  }
0xb2: {  	[dreg:$0x5] =	wrdreg $0x9  }
0xb3: {  	_ =	task.clear_ibuf [dreg:s8], $0x6FFFF;
	_ =	strace $0x90000046  }
0xb4: {  	s29 =	simm.s32 $0x9;
	_ =	strace $0x80000048  }
0xb5: {  	_ =	swait.ge [sflag:s29], $0x1  }
0xb6: {  	[sflag:s29] =	ssyncadd.s32 $0xFFFFFFFF  }
0xb7: {  	_ =	strace $0x90000048  }
0xb8: {  	_ =	sfence  }
0xb9: {  	s30 =	sld [smem:$0x0];
	_ =	sdelay $0x2  }
0xba: {  	s31 =	sshll.u32 s1, $0xD;
	s1 =	sshrl.u32 s1, $0x2  }
0xbb: {  	s3 =	sand.u32 $0x4000, s31;
	s1 =	sadd.s32 s1, s30  }
0xbc: {  	s0 =	sor.u32 s3, s0;
	s1 =	sshll.u32 s1, $0x11  }
0xbd: {  	s0 =	sor.u32 s1, s0  }
0xbe: {  	s0 =	sadd.s32 $0x8F2B, s0  }
0xbf: {  	[sflag:s0] =	ssyncadd.remote.s32 $0x1  }
0xc0: {  	_ =	sfence.sel $0xFFFF  }
0xc1: {  	[dreg:$0x0] =	wrdreg $0xFFFFFFFF;
	(pc) =	sbr.abs _section_cstart, $3  }
0xc2: {  	[dreg:$0x1] =	wrdreg $0xFFFFFFFF  }
0xc3: {  	_ =	task.clear_ibuf [dreg:s8], $0x2FFFF;
	_ =	strace $0x9FFFFFFF  }
0xc4: {  	(tm) =	ssettm $0x7FFFFFFF  }
0xc5: {  	_ =	shalt  }
tec
execute0_lowered:
.L_overlay_start_1:
0x0: {  	(tag) =	ssettag $0x1  }
0x1: {  	s1 =	rddreg [dreg:$0x0]  }
0x2: {  	s4 =	rddreg [dreg:$0x1]  }
0x3: {  	s5 =	rddreg [dreg:$0x2];
	s3 =	srdreg.scid  }
0x4: {  	s0 =	rddreg [dreg:$0x3];
	s2 =	stileid.u32  }
0x5: {  	s10 =	simm.s32 $0x880;
	s11 =	simm.s32 $0x1080;
	s12 =	simm.s32 $0x1880  }
0x6: {  	s13 =	simm.s32 $0x2080;
	s14 =	simm.s32 $0x2880;
	s15 =	simm.s32 $0x3080  }
0x7: {  	s16 =	simm.s32 $0x3880;
	s17 =	simm.s32 $0x1;
	s6 =	sand.u32 $0x1, s3  }
0x8: {  	s3 =	simm.s32 $0x0;
	s7 =	sshll.u32 s2, $0x6;
	s8 =	sshll.u32 s6, $0x5  }
0x9: {  	[smem:$0x7FF] =	sst s3;
	s6 =	ssub.s32 $0x2, s6;
	s7 =	sor.u32 s8, s7  }
0xa: {  	_ =	strace $0x80000047;
	s31 =	sshrl.u32 s6, $0x1;
	s8 =	sshll.u32 s7, $0x6  }
0xb: {  	v2 =	vlaneseq.u32;
	s7 =	sshrl.u32 s7, $0x3;
	s9 =	ssub.s32 s6, s31;
	s8 =	sadd.s32 s8, s5  }
0xc: {  	vm0 =	vmmov $0xffff;
	v1 =	vshrl.u32 v2, $0x3;
	s4 =	sadd.s32 s4, s7;
	s5 =	sadd.s32 $0x100, s1;
	s7 =	smax.u32 s9, $0x1  }
0xd: {  	v0 =	vand.u32 $0x7, v2;
	v2 =	vor.u32 $0x8, v2;
	v1 =	vmul.u32 $0x8, v1;
	s9 =	simm.s32 $0x80;
	s6 =	sadd.s32 $0x1600, s8;
	s8 =	simm.s32 $0x2  }
.LBB2_1:
0xe: {  	[tilespmem:s3], [sflag:$0x2] =	stream.linear.gather [hbm4b:s4+s3], $0x20, $0x38;
	[tilespmem:$0x4080] =	vst v63  }
0xf: {  	_ =	swait.ge [sflag:s8], $0x20  }
0x10: {  	[sflag:s8] =	ssyncset.done $0x0  }
0x11: {  	[sflag:s8] =	ssyncadd.s32 $0xFFFFFFE0  }
0x12: {  	v3 =	vld [tilespmem:$0x0];
	_ =	sdelay $0x4  }
0x13: {  	v4 =	vshll.u32 v3, $0x2  }
0x14: {  	v3 =	vand.u32 $0x7, v3;
	v4 =	vand.u32 $0xFFFFFFE0, v4  }
0x15: {  	v3 =	vor.u32 v3, v4  }
0x16: {  	v4 =	vperm.xlane v3, v0;
	_ =	sdelay $0x1  }
0x17: {  	v4 =	vadd.s32 v1, v4;
	_ =	sdelay $0x1  }
0x18: {  	v3 =	vperm.xlane v3, v2;
	_ =	sdelay $0x1  }
0x19: {  	v3 =	vadd.s32 v1, v3  }
0x1a: {  	[tilespmem:s9], [sflag:$0x1] =	stream.indirect_vreg.gather [hbm4b:s1+s3], $0x80, v4, vm0, $0xb8;
	[tilespmem:$0x4080] =	vst v63  }
0x1b: {  	_ = 	snop  }
0x1c: {  	[tilespmem:s10], [sflag:$0x1] =	stream.indirect_vreg.gather [hbm4b:s5+s3], $0x80, v4, vm0, $0xb8;
	[tilespmem:$0x4080] =	vst v63  }
0x1d: {  	_ = 	snop  }
0x1e: {  	[tilespmem:s11], [sflag:$0x1] =	stream.indirect_vreg.gather [hbm4b:s1+s3], $0x80, v3, vm0, $0xb8;
	[tilespmem:$0x4080] =	vst v63  }
0x1f: {  	_ = 	snop  }
0x20: {  	[tilespmem:s12], [sflag:$0x1] =	stream.indirect_vreg.gather [hbm4b:s5+s3], $0x80, v3, vm0, $0xb8;
	[tilespmem:$0x4080] =	vst v63  }
0x21: {  	v3 =	vld [tilespmem:$0x10];
	_ =	sdelay $0x4  }
0x22: {  	v63 =	vshll.u32 v3, $0x2  }
0x23: {  	v3 =	vand.u32 $0x7, v3;
	v4 =	vand.u32 $0xFFFFFFE0, v63  }
0x24: {  	v3 =	vor.u32 v3, v4  }
0x25: {  	v4 =	vperm.xlane v3, v0;
	_ =	sdelay $0x1  }
0x26: {  	v4 =	vadd.s32 v1, v4;
	_ =	sdelay $0x1  }
0x27: {  	v3 =	vperm.xlane v3, v2;
	_ =	sdelay $0x1  }
0x28: {  	v3 =	vadd.s32 v1, v3  }
0x29: {  	[tilespmem:s13], [sflag:$0x1] =	stream.indirect_vreg.gather [hbm4b:s1+s3], $0x80, v4, vm0, $0xb8;
	[tilespmem:$0x4080] =	vst v63  }
0x2a: {  	_ = 	snop  }
0x2b: {  	[tilespmem:s14], [sflag:$0x1] =	stream.indirect_vreg.gather [hbm4b:s5+s3], $0x80, v4, vm0, $0xb8;
	[tilespmem:$0x4080] =	vst v63  }
0x2c: {  	_ = 	snop  }
0x2d: {  	[tilespmem:s15], [sflag:$0x1] =	stream.indirect_vreg.gather [hbm4b:s1+s3], $0x80, v3, vm0, $0xb8;
	[tilespmem:$0x4080] =	vst v63  }
0x2e: {  	_ = 	snop  }
0x2f: {  	[tilespmem:s16], [sflag:$0x1] =	stream.indirect_vreg.gather [hbm4b:s5+s3], $0x80, v3, vm0, $0xb8;
	[tilespmem:$0x4080] =	vst v63  }
0x30: {  	_ =	swait.ge [sflag:s17], $0x4000  }
0x31: {  	p0 =	sne.s32 s7, $0x1;
	[sflag:s17] =	ssyncset.done $0x0  }
.Ltmp0:
0x32: {  	[sflag:s17] =	ssyncadd.s32 $0xFFFFC000;
	(pc) =	sbr.rel @p0 .LBB2_1-.Ltmp0, $4  }
0x33: {  	[hbm4b:s6+s3] =	stream.linear.scatter [tilespmem:s9], [sflag:$0x2], $0x4000, $0x38;
	[tilespmem:$0x4080] =	vst v63  }
0x34: {  	_ =	swait.ge [sflag:s8], $0x4000  }
0x35: {  	[sflag:s8] =	ssyncset.done $0x0  }
0x36: {  	s7 =	sadd.s32 $0xFFFFFFFF, s7;
	[sflag:s8] =	ssyncadd.s32 $0xFFFFC000  }
0x37: {  	_ =	sfence.sel $0x180000  }
0x38: {  	[bflag:$0x0] =	sbarrier.arrive $0xFFFF  }
0x39: {  	p0 =	sne.s32 s2, $0x0;
	_ =	strace $0x90000047  }
0x3a: {  	s0 =	sadd.s32 @!p0 $0x100000, s0;
	[bflag:$0x2] =	sbarrier.arrive $0xFFFF  }
0x3b: {  	[sflag:s0] =	ssyncadd.tile.s32 @!p0 $0x1;
	_ =	shalt  }
.Lfunc_end2:
_tile_overlayer_lowered:
.L_overlay_start_2:
0x3c: {  	(tag) =	ssettag $0x2  }
0x3d: {  	s0 =	rddreg [dreg:$0x0];
	s2 =	stileid.u32  }
0x3e: {  	s1 =	rddreg [dreg:$0x1];
	p0 =	sne.s32 s2, $0x0  }
0x3f: {  	s3 =	rddreg [dreg:$0x2];
	[bflag:$0x3] =	sbarrier.arrive $0xFFFF;
	s2 =	simm.s32 @!p0 $0x1C02  }
0x40: {  	[timem:s3], [sflag:s2] =	dma.local @!p0 [hbm:s0], s1  }
0x41: {  	s0 =	simm.s32 @!p0 $0x2  }
0x42: {  	_ =	swait.ge @!p0 [sflag:s0], s1  }
0x43: {  	s1 =	ssub.s32 @!p0 $0x0, s1;
	[sflag:s0] =	ssyncset.done @!p0 $0x0  }
0x44: {  	[sflag:s0] =	ssyncadd.s32 @!p0 s1  }
0x45: {  	[bflag:$0x3] =	sbarrier.arrive $0xFFFF  }
0x46: {  	_ =	shalt  }

</sc_bundles>
